<compile_context>
chip_gen: v7x
topology: tpu7x:2x2x1
jax: 0.10.2.dev20260603
libtpu: 0.0.44.dev20260713+nightly
codegen_flags: <defaults>
</compile_context>

<pallas_src>
import functools

import jax
import jax.numpy as jnp
from jax import lax
from jax.experimental import pallas as pl
from jax.experimental.pallas import tpu as pltpu
from jax.experimental.pallas import tpu_sc as plsc

C = 81
CPAD = 128
THR = 0.5
RATIO = 3
TP = 8960


def _match_body(nprior, gt_ref, pcf_ref, bto_ref, bti_ref, bpv_ref, bpi_ref):
    j = pl.program_id(1)
    t = gt_ref[0]
    T = t.shape[0]
    tx1, ty1 = t[:, 0:1], t[:, 1:2]
    tx2, ty2 = t[:, 2:3], t[:, 3:4]
    p = pcf_ref[...]
    pcx, pcy, pw, ph = p[0:1], p[1:2], p[2:3], p[3:4]
    px1, py1 = pcx - 0.5 * pw, pcy - 0.5 * ph
    px2, py2 = pcx + 0.5 * pw, pcy + 0.5 * ph
    iw = jnp.clip(jnp.minimum(tx2, px2) - jnp.maximum(tx1, px1), 0.0, None)
    ih = jnp.clip(jnp.minimum(ty2, py2) - jnp.maximum(ty1, py1), 0.0, None)
    inter = iw * ih
    area_t = (tx2 - tx1) * (ty2 - ty1)
    area_p = pw * ph
    iou = inter / (area_t + area_p - inter)
    gidx = j * TP + lax.broadcasted_iota(jnp.int32, (1, TP), 1)
    iou = jnp.where(gidx < nprior, iou, -1.0)
    bto = jnp.max(iou, axis=0, keepdims=True)
    ti = lax.broadcasted_iota(jnp.int32, (T, TP), 0)
    bti = jnp.min(jnp.where(iou == bto, ti, T), axis=0, keepdims=True)
    bto_ref[0] = bto
    bti_ref[0] = bti
    tmax = jnp.max(iou, axis=1, keepdims=True)
    gbc = jnp.broadcast_to(gidx, (T, TP))
    targ = jnp.min(jnp.where(iou == tmax, gbc, nprior * 4), axis=1,
                   keepdims=True)

    @pl.when(j == 0)
    def _():
        bpv_ref[0] = tmax
        bpi_ref[0] = targ

    @pl.when(j > 0)
    def _():
        old = bpv_ref[0]
        upd = tmax > old
        bpv_ref[0] = jnp.where(upd, tmax, old)
        bpi_ref[0] = jnp.where(upd, targ, bpi_ref[0])


def _target_body(nprior, gt_ref, pcf_ref, var_ref, loc_ref, bto_ref, bti_ref,
                 bpi_ref, cls_ref, npos_ref, lloss_ref):
    j = pl.program_id(1)
    t = gt_ref[0]
    T = t.shape[0]
    bto = bto_ref[0]
    bti = bti_ref[0]
    bpi = bpi_ref[0]
    gidx = j * TP + lax.broadcasted_iota(jnp.int32, (1, TP), 1)
    valid = gidx < nprior
    ti = lax.broadcasted_iota(jnp.int32, (T, TP), 0)
    fix = jnp.max(jnp.where(bpi == gidx, ti, -1), axis=0, keepdims=True)
    btif = jnp.where(fix >= 0, fix, bti)
    btof = jnp.where(fix >= 0, 2.0, bto)
    oh = ti == btif
    mlab = jnp.sum(jnp.where(oh, t[:, 4:5], 0.0), axis=0, keepdims=True)
    cls = jnp.where((btof >= THR) & valid, mlab + 1.0, 0.0)
    cls_ref[0] = cls
    pos = cls > 0.0
    mx1 = jnp.sum(jnp.where(oh, t[:, 0:1], 0.0), axis=0, keepdims=True)
    my1 = jnp.sum(jnp.where(oh, t[:, 1:2], 0.0), axis=0, keepdims=True)
    mx2 = jnp.sum(jnp.where(oh, t[:, 2:3], 0.0), axis=0, keepdims=True)
    my2 = jnp.sum(jnp.where(oh, t[:, 3:4], 0.0), axis=0, keepdims=True)
    p = pcf_ref[...]
    pcx, pcy, pw, ph = p[0:1], p[1:2], p[2:3], p[3:4]
    v = var_ref[...]
    v0, v1, v2, v3 = v[0:1], v[1:2], v[2:3], v[3:4]
    l = loc_ref[0]
    enc = [(0.5 * (mx1 + mx2) - pcx) / (v0 * pw),
           (0.5 * (my1 + my2) - pcy) / (v1 * ph),
           jnp.log((mx2 - mx1) / pw) / v2,
           jnp.log((my2 - my1) / ph) / v3]
    sl = jnp.zeros((1, TP), jnp.float32)
    for c in range(4):
        d = l[c:c + 1, :] - enc[c]
        ad = jnp.abs(d)
        sl = sl + jnp.where(ad < 1.0, 0.5 * d * d, ad - 0.5)
    lpart = jnp.sum(jnp.where(pos, sl, 0.0)).reshape(1, 1)
    npart = jnp.sum(jnp.where(pos, 1, 0)).reshape(1, 1)

    @pl.when(j == 0)
    def _():
        npos_ref[0] = npart
        lloss_ref[0] = lpart

    @pl.when(j > 0)
    def _():
        npos_ref[0] = npos_ref[0] + npart
        lloss_ref[0] = lloss_ref[0] + lpart


def _conf_half(nprior, off, x, cls):
    TH = x.shape[0]
    e = jnp.exp(x)
    ones = jnp.ones((C, 1), jnp.float32)
    dn = (((1,), (0,)), ((), ()))
    s = lax.dot_general(e, ones, dn, preferred_element_type=jnp.float32)
    lse = jnp.log(s)
    ci = lax.broadcasted_iota(jnp.int32, (TH, C), 1)
    pick_mat = jnp.where(ci == cls.astype(jnp.int32), x, 0.0)
    picked = lax.dot_general(pick_mat, ones, dn,
                             preferred_element_type=jnp.float32)
    gidx = off + lax.broadcasted_iota(jnp.int32, (TH, 1), 0)
    valid = gidx < nprior
    pos = cls > 0.0
    ce = lse - picked
    cl = jnp.where(pos, 0.0, ce)
    cl = jnp.where(valid, cl, -1.0)
    cpart = jnp.sum(jnp.where(pos & valid, ce, 0.0))
    return cl, cpart


def _conf_body(nprior, conf_a, conf_b, cls_ref, cla_ref, clb_ref, cpos_ref):
    TH = TP // 2
    cls = cls_ref[0]
    cl_a, cp_a = _conf_half(nprior, 0, conf_a[0], cls[:TH])
    cl_b, cp_b = _conf_half(nprior, TH, conf_b[0], cls[TH:])
    cla_ref[0] = cl_a
    clb_ref[0] = cl_b
    cpos_ref[0] = (cp_a + cp_b).reshape(1, 1)


def _xsum(v):
    i16 = lax.iota(jnp.int32, 16)
    dnums = lax.GatherDimensionNumbers(
        offset_dims=(), collapsed_slice_dims=(0,), start_index_map=(0,))
    for m in (1, 2, 4, 8):
        perm = lax.gather(v, (i16 ^ m)[:, None], dnums, (1,),
                          mode=lax.GatherScatterMode.PROMISE_IN_BOUNDS)
        v = v + perm
    return v


def _select_body(nprior, ppad, cl_hbm, npos_hbm, out_hbm,
                 cl_v, np_v, out_v):
    cid = lax.axis_index("c")
    sid = lax.axis_index("s")
    wid = sid * 2 + cid
    pltpu.sync_copy(cl_hbm.at[wid], cl_v)
    pltpu.sync_copy(npos_hbm.at[wid], np_v)
    npos = np_v[...]
    k = jnp.minimum(jnp.minimum(RATIO * npos, nprior - 1), nprior - npos)
    nch = ppad // 16

    def count_ge(thr):
        def cbody(i, acc):
            a0 = jnp.where(cl_v[pl.ds(i * 64, 16)] >= thr, 1, 0)
            a1 = jnp.where(cl_v[pl.ds(i * 64 + 16, 16)] >= thr, 1, 0)
            a2 = jnp.where(cl_v[pl.ds(i * 64 + 32, 16)] >= thr, 1, 0)
            a3 = jnp.where(cl_v[pl.ds(i * 64 + 48, 16)] >= thr, 1, 0)
            return acc + ((a0 + a1) + (a2 + a3))
        acc = lax.fori_loop(0, nch // 4, cbody,
                            jnp.zeros((16,), jnp.int32))
        return _xsum(acc)

    def bis(_, carry):
        lo, hi = carry
        mid = lo + lax.shift_right_arithmetic(hi - lo, 1)
        big = count_ge(lax.bitcast_convert_type(mid, jnp.float32)) >= k
        return (jnp.where(big, mid, lo), jnp.where(big, hi, mid))

    zi = jnp.zeros((16,), jnp.int32)
    lo, _ = lax.fori_loop(0, 31, bis,
                          (zi, zi + jnp.int32(0x7F800000)))
    t = lax.bitcast_convert_type(lo, jnp.float32)

    def fbody(i, carry):
        sgt, cgt = carry
        for q in range(4):
            xx = cl_v[pl.ds(i * 64 + q * 16, 16)]
            g = xx > t
            sgt = sgt + jnp.where(g, xx, 0.0)
            cgt = cgt + jnp.where(g, 1, 0)
        return (sgt, cgt)

    z = jnp.zeros((16,), jnp.float32)
    sgt, cgt = lax.fori_loop(0, nch // 4, fbody, (z, zi))
    r = (k - _xsum(cgt)).astype(jnp.float32)
    res = _xsum(sgt) + r * t
    res = jnp.where(k > 0, res, 0.0)
    out_v[...] = res
    pltpu.sync_copy(out_v, out_hbm.at[wid])


def _run_select(cl2, npos_b, nprior, ppad):
    B = cl2.shape[0]
    mesh = plsc.VectorSubcoreMesh(core_axis_name="c", subcore_axis_name="s")
    sel = pl.kernel(
        functools.partial(_select_body, nprior, ppad),
        out_type=jax.ShapeDtypeStruct((B, 16), jnp.float32),
        mesh=mesh,
        scratch_types=[
            pltpu.VMEM((ppad,), jnp.float32),
            pltpu.VMEM((16,), jnp.int32),
            pltpu.VMEM((16,), jnp.float32),
        ],
    )
    npos_bc = jnp.broadcast_to(npos_b[:, None], (B, 16))
    return sel(cl2, npos_bc)[:, 0]


def kernel(loc_data, conf_data, priors, ground_truth):
    B, P, _ = loc_data.shape
    T = ground_truth.shape[1]
    NT = -(-P // TP)
    PPAD = NT * TP
    f32 = jnp.float32
    padc = jnp.ones((4, PPAD - P), f32)
    pcf_t = jnp.concatenate([priors[0].reshape(P, 4).T, padc], axis=1)
    var_t = jnp.concatenate([priors[1].reshape(P, 4).T, padc], axis=1)
    loc_t = jnp.transpose(loc_data, (0, 2, 1))

    grid = (B, NT)
    cpar = pltpu.CompilerParams(
        dimension_semantics=("parallel", "arbitrary"))
    bto, bti, bpv, bpi = pl.pallas_call(
        functools.partial(_match_body, P),
        grid=grid,
        in_specs=[
            pl.BlockSpec((1, T, 5), lambda i, j: (i, 0, 0)),
            pl.BlockSpec((4, TP), lambda i, j: (0, j)),
        ],
        out_specs=[
            pl.BlockSpec((1, 1, TP), lambda i, j: (i, 0, j)),
            pl.BlockSpec((1, 1, TP), lambda i, j: (i, 0, j)),
            pl.BlockSpec((1, T, 1), lambda i, j: (i, 0, 0)),
            pl.BlockSpec((1, T, 1), lambda i, j: (i, 0, 0)),
        ],
        out_shape=[
            jax.ShapeDtypeStruct((B, 1, PPAD), f32),
            jax.ShapeDtypeStruct((B, 1, PPAD), jnp.int32),
            jax.ShapeDtypeStruct((B, T, 1), f32),
            jax.ShapeDtypeStruct((B, T, 1), jnp.int32),
        ],
        compiler_params=cpar,
    )(ground_truth, pcf_t)

    cls, npos, lloss = pl.pallas_call(
        functools.partial(_target_body, P),
        grid=grid,
        in_specs=[
            pl.BlockSpec((1, T, 5), lambda i, j: (i, 0, 0)),
            pl.BlockSpec((4, TP), lambda i, j: (0, j)),
            pl.BlockSpec((4, TP), lambda i, j: (0, j)),
            pl.BlockSpec((1, 4, TP), lambda i, j: (i, 0, j)),
            pl.BlockSpec((1, 1, TP), lambda i, j: (i, 0, j)),
            pl.BlockSpec((1, 1, TP), lambda i, j: (i, 0, j)),
            pl.BlockSpec((1, T, 1), lambda i, j: (i, 0, 0)),
        ],
        out_specs=[
            pl.BlockSpec((1, 1, TP), lambda i, j: (i, 0, j)),
            pl.BlockSpec((1, 1, 1), lambda i, j: (i, 0, 0)),
            pl.BlockSpec((1, 1, 1), lambda i, j: (i, 0, 0)),
        ],
        out_shape=[
            jax.ShapeDtypeStruct((B, 1, PPAD), f32),
            jax.ShapeDtypeStruct((B, 1, 1), jnp.int32),
            jax.ShapeDtypeStruct((B, 1, 1), f32),
        ],
        compiler_params=cpar,
    )(ground_truth, pcf_t, var_t, loc_t, bto, bti, bpi)

    TH = TP // 2
    cl, clb, cpos = pl.pallas_call(
        functools.partial(_conf_body, P),
        grid=(B,),
        in_specs=[
            pl.BlockSpec((1, TH, C), lambda i: (i, 0, 0)),
            pl.BlockSpec((1, TH, C), lambda i: (i, 1, 0)),
            pl.BlockSpec((1, TP, 1), lambda i: (i, 0, 0)),
        ],
        out_specs=[
            pl.BlockSpec((1, TH, 1), lambda i: (i, 0, 0)),
            pl.BlockSpec((1, TH, 1), lambda i: (i, 0, 0)),
            pl.BlockSpec((1, 1, 1), lambda i: (i, 0, 0)),
        ],
        out_shape=[
            jax.ShapeDtypeStruct((B, TH, 1), f32),
            jax.ShapeDtypeStruct((B, TH, 1), f32),
            jax.ShapeDtypeStruct((B, 1, 1), f32),
        ],
        compiler_params=pltpu.CompilerParams(
            dimension_semantics=("arbitrary",)),
    )(conf_data, conf_data, cls.reshape(B, PPAD, 1))
    cl = jnp.concatenate([cl[..., 0], clb[..., 0]], axis=1)

    npos_b = npos[:, 0, 0]
    conf_neg = _run_select(cl, npos_b, P, PPAD)
    total = jnp.sum(lloss) + jnp.sum(cpos) + jnp.sum(conf_neg)
    return total / jnp.sum(npos_b).astype(f32)

# --- scband reference (transcript-rebuilt; emitter-appended) ---
"""Pipeline reference for scband-multi-box-loss-90117003805429 (READ-ONLY COPY).

The authoritative reference and input builder live on the scoring server;
editing this copy changes nothing except your own understanding.
"""

import jax, jax.numpy as jnp
import numpy as np

NUM_CLASSES = 81
THRESHOLD = 0.5
NEG_POS_RATIO = 3


def point_form(b):
    return jnp.concatenate([b[:, :2] - b[:, 2:] / 2.0, b[:, :2] + b[:, 2:] / 2.0], axis=1)


def jaccard(a, b):
    max_xy = jnp.minimum(a[:, None, 2:], b[None, :, 2:])
    min_xy = jnp.maximum(a[:, None, :2], b[None, :, :2])
    inter = jnp.clip(max_xy - min_xy, 0.0, None)
    inter = inter[..., 0] * inter[..., 1]
    area_a = ((a[:, 2] - a[:, 0]) * (a[:, 3] - a[:, 1]))[:, None]
    area_b = ((b[:, 2] - b[:, 0]) * (b[:, 3] - b[:, 1]))[None, :]
    return inter / (area_a + area_b - inter)


def match_indices(truths_pf, labels, priors_cf, threshold):
    overlaps = jaccard(truths_pf, point_form(priors_cf))
    best_prior_idx = jnp.argmax(overlaps, axis=1)
    best_truth_overlap = jnp.max(overlaps, axis=0)
    best_truth_idx = jnp.argmax(overlaps, axis=0)
    best_truth_overlap = best_truth_overlap.at[best_prior_idx].set(2.0)
    T = truths_pf.shape[0]
    for j in range(T):
        best_truth_idx = best_truth_idx.at[best_prior_idx[j]].set(j)
    conf = labels[best_truth_idx].astype(jnp.int32) + 1
    conf = jnp.where(best_truth_overlap < threshold, 0, conf)
    return best_truth_idx, conf


def encode(truths_pf, best_truth_idx, priors_cf, variances):
    matched = truths_pf[best_truth_idx]
    cxcy = (matched[:, :2] + matched[:, 2:]) / 2.0
    wh = matched[:, 2:] - matched[:, :2]
    g_cxcy = (cxcy - priors_cf[:, :2]) / (variances[:, :2] * priors_cf[:, 2:])
    g_wh = jnp.log(wh / priors_cf[:, 2:]) / variances[:, 2:]
    return jnp.concatenate([g_cxcy, g_wh], axis=1)


def setup_inputs(seed: int = 0):
    key = jax.random.key(seed)
    B, P, C, T = 32, 8732, NUM_CLASSES, 24
    k1, k2, k3, k4, k5, k6, k7 = jax.random.split(key, 7)
    loc_data = jax.random.normal(k1, (B, P, 4), dtype=jnp.float32) * 0.5
    conf_data = jax.random.normal(k2, (B, P, C), dtype=jnp.float32)
    p_cxcy = jax.random.uniform(k3, (P, 2), minval=0.0, maxval=1.0, dtype=jnp.float32)
    p_wh = jax.random.uniform(k4, (P, 2), minval=0.05, maxval=0.3, dtype=jnp.float32)
    priors_cf = jnp.concatenate([p_cxcy, p_wh], axis=1)
    variances = jnp.tile(jnp.array([[0.1, 0.1, 0.2, 0.2]], dtype=jnp.float32), (P, 1))
    priors = jnp.stack([priors_cf.reshape(-1), variances.reshape(-1)], axis=0)
    g_cxcy = jax.random.uniform(k5, (B, T, 2), minval=0.25, maxval=0.75, dtype=jnp.float32)
    g_wh = jax.random.uniform(k6, (B, T, 2), minval=0.1, maxval=0.4, dtype=jnp.float32)
    boxes_pf = jnp.concatenate([g_cxcy - g_wh / 2.0, g_cxcy + g_wh / 2.0], axis=2)
    labels = jax.random.randint(k7, (B, T, 1), 0, C - 1).astype(jnp.float32)
    ground_truth = jnp.concatenate([boxes_pf, labels], axis=2).astype(jnp.float32)
    return {"loc_data": loc_data, "conf_data": conf_data, "priors": priors, "ground_truth": ground_truth}


def reference(loc_data, conf_data, priors, ground_truth):
    B, P, _ = loc_data.shape
    C = conf_data.shape[2]
    priors_cf = priors[0].reshape(-1, 4)
    variances = priors[1].reshape(-1, 4)
    loc_t_list, conf_t_list = [], []
    for i in range(B):
        truths = ground_truth[i][:, :4]
        labels = ground_truth[i][:, 4]
        bti, conf = match_indices(truths, labels, priors_cf, THRESHOLD)
        loc_t_list.append(encode(truths, bti, priors_cf, variances))
        conf_t_list.append(conf)
    loc_targets = jnp.stack(loc_t_list)
    conf_targets = jnp.stack(conf_t_list)
    pos = conf_targets > 0
    d = loc_data - loc_targets
    ad = jnp.abs(d)
    sl1 = jnp.where(ad < 1.0, 0.5 * d * d, ad - 0.5)
    loc_loss = jnp.sum(sl1 * pos[:, :, None].astype(jnp.float32))
    flat_conf = conf_data.reshape(-1, C)
    max_conf = jnp.max(conf_data)
    lse_global = jnp.log(jnp.sum(jnp.exp(flat_conf - max_conf), axis=1)) + max_conf
    picked = jnp.take_along_axis(flat_conf, conf_targets.reshape(-1, 1), axis=1)[:, 0]
    cl = (lse_global - picked).reshape(B, P)
    cl = jnp.where(pos, 0.0, cl)
    loss_idx = jnp.argsort(-cl, axis=1)
    rank = jnp.argsort(loss_idx, axis=1)
    num_pos = jnp.sum(pos.astype(jnp.int32), axis=1)
    num_neg = jnp.clip(NEG_POS_RATIO * num_pos, None, P - 1)
    neg = rank < num_neg[:, None]
    mask = (pos | neg).reshape(-1)
    ce_per = jax.nn.logsumexp(flat_conf, axis=1) - picked
    conf_loss = jnp.sum(jnp.where(mask, ce_per, 0.0))
    loss = (loc_loss + conf_loss) / jnp.sum(num_pos).astype(jnp.float32)
    return loss

if __name__ == "__main__":
    import jax
    _d = setup_inputs()
    print(jax.jit(kernel)(*tuple(_d.values())))

</pallas_src>

<mosaic_0001>
#map = affine_map<(d0, d1) -> (0, 0)>
module attributes {stable_mosaic.version = 14 : i64} {
  func.func @_select_body(%arg0: i32, %arg1: i32, %arg2: memref<32x8960xf32, #tpu.memory_space<hbm>>, %arg3: memref<32x16xi32, #tpu.memory_space<hbm>>, %arg4: memref<32x16xf32, #tpu.memory_space<hbm>>, %arg5: memref<8960xf32, #tpu.memory_space<vmem>>, %arg6: memref<16xi32, #tpu.memory_space<vmem>>, %arg7: memref<16xf32, #tpu.memory_space<vmem>>) attributes {dimension_semantics = [#tpu.dimension_semantics<core_parallel>, #tpu.dimension_semantics<subcore_parallel>], iteration_bounds = array<i64: 2, 16>, scalar_prefetch = 0 : i64, scratch_operands = 3 : i64, tpu.core_type = #tpu.core_type<sc_vector_subcore>, window_params = [{transform_indices = #map}, {transform_indices = #map}, {transform_indices = #map}]} {
    %mul3A = arith.constant 2 : i32
    %mul3A_0 = arith.muli %arg1, %mul3A : i32
    %add3A = arith.addi %mul3A_0, %arg0 : i32
    "tpu.region"() ({
      %run_scoped3A = tpu.sem_alloc : memref<!tpu.dma_semaphore, #tpu.memory_space<semaphore_mem>>
      %dma_start3A = arith.constant 0 : i32
      %dma_start3A_92 = tpu.memref_slice %arg2[%add3A, %dma_start3A] : memref<32x8960xf32, #tpu.memory_space<hbm>> -> memref<1x8960xf32, #tpu.memory_space<hbm>>
      %dma_start3A_93 = tpu.memref_squeeze %dma_start3A_92 : memref<1x8960xf32, #tpu.memory_space<hbm>> -> memref<8960xf32, #tpu.memory_space<hbm>>
      %dma_start3A_94 = arith.constant 0 : i32
      %dma_start3A_95 = tpu.memref_slice %arg2[%add3A, %dma_start3A_94] : memref<32x8960xf32, #tpu.memory_space<hbm>> -> memref<1x8960xf32, #tpu.memory_space<hbm>>
      %dma_start3A_96 = tpu.memref_squeeze %dma_start3A_95 : memref<1x8960xf32, #tpu.memory_space<hbm>> -> memref<8960xf32, #tpu.memory_space<hbm>>
      tpu.enqueue_dma source(%dma_start3A_96 : memref<8960xf32, #tpu.memory_space<hbm>>) target(%arg5 : memref<8960xf32, #tpu.memory_space<vmem>>) target_semaphore(%run_scoped3A : memref<!tpu.dma_semaphore, #tpu.memory_space<semaphore_mem>>)
      %dma_wait3A = arith.constant 0 : i32
      %dma_wait3A_97 = tpu.memref_slice %arg2[%add3A, %dma_wait3A] : memref<32x8960xf32, #tpu.memory_space<hbm>> -> memref<1x8960xf32, #tpu.memory_space<hbm>>
      %dma_wait3A_98 = tpu.memref_squeeze %dma_wait3A_97 : memref<1x8960xf32, #tpu.memory_space<hbm>> -> memref<8960xf32, #tpu.memory_space<hbm>>
      %dma_wait3A_99 = arith.constant 0 : i32
      %dma_wait3A_100 = tpu.memref_slice %arg2[%add3A, %dma_wait3A_99] : memref<32x8960xf32, #tpu.memory_space<hbm>> -> memref<1x8960xf32, #tpu.memory_space<hbm>>
      %dma_wait3A_101 = tpu.memref_squeeze %dma_wait3A_100 : memref<1x8960xf32, #tpu.memory_space<hbm>> -> memref<8960xf32, #tpu.memory_space<hbm>>
      tpu.wait_dma2 semaphore(%run_scoped3A : memref<!tpu.dma_semaphore, #tpu.memory_space<semaphore_mem>>) src(%dma_wait3A_101 : memref<8960xf32, #tpu.memory_space<hbm>>) dst(%arg5 : memref<8960xf32, #tpu.memory_space<vmem>>)
      tpu.yield
    }) : () -> ()
    "tpu.region"() ({
      %run_scoped3A = tpu.sem_alloc : memref<!tpu.dma_semaphore, #tpu.memory_space<semaphore_mem>>
      %dma_start3A = arith.constant 0 : i32
      %dma_start3A_92 = tpu.memref_slice %arg3[%add3A, %dma_start3A] : memref<32x16xi32, #tpu.memory_space<hbm>> -> memref<1x16xi32, #tpu.memory_space<hbm>>
      %dma_start3A_93 = tpu.memref_squeeze %dma_start3A_92 : memref<1x16xi32, #tpu.memory_space<hbm>> -> memref<16xi32, #tpu.memory_space<hbm>>
      %dma_start3A_94 = arith.constant 0 : i32
      %dma_start3A_95 = tpu.memref_slice %arg3[%add3A, %dma_start3A_94] : memref<32x16xi32, #tpu.memory_space<hbm>> -> memref<1x16xi32, #tpu.memory_space<hbm>>
      %dma_start3A_96 = tpu.memref_squeeze %dma_start3A_95 : memref<1x16xi32, #tpu.memory_space<hbm>> -> memref<16xi32, #tpu.memory_space<hbm>>
      tpu.enqueue_dma source(%dma_start3A_96 : memref<16xi32, #tpu.memory_space<hbm>>) target(%arg6 : memref<16xi32, #tpu.memory_space<vmem>>) target_semaphore(%run_scoped3A : memref<!tpu.dma_semaphore, #tpu.memory_space<semaphore_mem>>)
      %dma_wait3A = arith.constant 0 : i32
      %dma_wait3A_97 = tpu.memref_slice %arg3[%add3A, %dma_wait3A] : memref<32x16xi32, #tpu.memory_space<hbm>> -> memref<1x16xi32, #tpu.memory_space<hbm>>
      %dma_wait3A_98 = tpu.memref_squeeze %dma_wait3A_97 : memref<1x16xi32, #tpu.memory_space<hbm>> -> memref<16xi32, #tpu.memory_space<hbm>>
      %dma_wait3A_99 = arith.constant 0 : i32
      %dma_wait3A_100 = tpu.memref_slice %arg3[%add3A, %dma_wait3A_99] : memref<32x16xi32, #tpu.memory_space<hbm>> -> memref<1x16xi32, #tpu.memory_space<hbm>>
      %dma_wait3A_101 = tpu.memref_squeeze %dma_wait3A_100 : memref<1x16xi32, #tpu.memory_space<hbm>> -> memref<16xi32, #tpu.memory_space<hbm>>
      tpu.wait_dma2 semaphore(%run_scoped3A : memref<!tpu.dma_semaphore, #tpu.memory_space<semaphore_mem>>) src(%dma_wait3A_101 : memref<16xi32, #tpu.memory_space<hbm>>) dst(%arg6 : memref<16xi32, #tpu.memory_space<vmem>>)
      tpu.yield
    }) : () -> ()
    %get3A = arith.constant 0 : index
    %get3A_1 = tpu.vector_load %arg6[%get3A] {strides = array<i32>} : memref<16xi32, #tpu.memory_space<vmem>>, vector<16xi32>,
    %get3A_2 = vector.shape_cast %get3A_1 : vector<16xi32> to vector<16xi32>
    %mul3A_3 = arith.constant 3 : i32
    %mul3A_4 = vector.broadcast %mul3A_3 : i32 to vector<16xi32>
    %mul3A_5 = arith.muli %mul3A_4, %get3A_2 : vector<16xi32>
    %min3A = arith.constant 8731 : i32
    %min3A_6 = vector.broadcast %min3A : i32 to vector<16xi32>
    %min3A_7 = arith.minsi %mul3A_5, %min3A_6 : vector<16xi32>
    %sub3A = arith.constant 8732 : i32
    %sub3A_8 = vector.broadcast %sub3A : i32 to vector<16xi32>
    %sub3A_9 = arith.subi %sub3A_8, %get3A_2 : vector<16xi32>
    %min3A_10 = arith.minsi %min3A_7, %sub3A_9 : vector<16xi32>
    %broadcast_in_dim3A = arith.constant 0 : i32
    %broadcast_in_dim3A_11 = vector.broadcast %broadcast_in_dim3A : i32 to vector<16xi32>
    %add3A_12 = arith.constant 2139095040 : i32
    %add3A_13 = vector.broadcast %add3A_12 : i32 to vector<16xi32>
    %add3A_14 = arith.addi %broadcast_in_dim3A_11, %add3A_13 : vector<16xi32>
    %scan3A = arith.constant 0 : i32
    %scan3A_15 = arith.constant 31 : i32
    %scan3A_16 = arith.addi %scan3A, %scan3A_15 : i32
    %scan3A_17 = arith.constant 1 : i32
    %scan3A_18:2 = scf.for %scan3A_92 = %scan3A to %scan3A_16 step %scan3A_17 iter_args(%scan3A_93 = %broadcast_in_dim3A_11, %scan3A_94 = %add3A_14) -> (vector<16xi32>, vector<16xi32>)  : i32 {
      %sub3A_95 = arith.subi %scan3A_94, %scan3A_93 : vector<16xi32>
      %shift_right_arithmetic3A = arith.constant 1 : i32
      %shift_right_arithmetic3A_96 = vector.broadcast %shift_right_arithmetic3A : i32 to vector<16xi32>
      %shift_right_arithmetic3A_97 = arith.shrsi %sub3A_95, %shift_right_arithmetic3A_96 : vector<16xi32>
      %add3A_98 = arith.addi %scan3A_93, %shift_right_arithmetic3A_97 : vector<16xi32>
      %bitcast_convert_type3A_99 = tpu.bitcast %add3A_98 : vector<16xi32> -> vector<16xf32>
      %broadcast_in_dim3A_100 = arith.constant 0 : i32
      %broadcast_in_dim3A_101 = vector.broadcast %broadcast_in_dim3A_100 : i32 to vector<16xi32>
      %scan3A_102 = arith.constant 0 : i32
      %scan3A_103 = arith.constant 140 : i32
      %scan3A_104 = arith.addi %scan3A_102, %scan3A_103 : i32
      %scan3A_105 = arith.constant 1 : i32
      %scan3A_106 = scf.for %scan3A_139 = %scan3A_102 to %scan3A_104 step %scan3A_105 iter_args(%scan3A_140 = %broadcast_in_dim3A_101) -> (vector<16xi32>)  : i32 {
        %mul3A_141 = arith.constant 64 : i32
        %mul3A_142 = arith.muli %scan3A_139, %mul3A_141 : i32
        %get3A_143 = arith.index_cast %mul3A_142 : i32 to index
        %get3A_144 = tpu.vector_load %arg5[%get3A_143] {strides = array<i32>} : memref<8960xf32, #tpu.memory_space<vmem>>, vector<16xf32>,
        %get3A_145 = vector.shape_cast %get3A_144 : vector<16xf32> to vector<16xf32>
        %ge3A_146 = arith.cmpf oge, %get3A_145, %bitcast_convert_type3A_99 : vector<16xf32>
        %jit3A_147 = arith.constant 1 : i32
        %jit3A_148 = arith.constant 0 : i32
        %broadcast_in_dim3A_149 = vector.broadcast %jit3A_147 : i32 to vector<16xi32>
        %broadcast_in_dim3A_150 = vector.broadcast %jit3A_148 : i32 to vector<16xi32>
        %select_n3A_151 = arith.select %ge3A_146, %broadcast_in_dim3A_149, %broadcast_in_dim3A_150 : vector<16xi1>, vector<16xi32>
        %mul3A_152 = arith.constant 64 : i32
        %mul3A_153 = arith.muli %scan3A_139, %mul3A_152 : i32
        %add3A_154 = arith.constant 16 : i32
        %add3A_155 = arith.addi %mul3A_153, %add3A_154 : i32
        %get3A_156 = arith.index_cast %add3A_155 : i32 to index
        %get3A_157 = tpu.vector_load %arg5[%get3A_156] {strides = array<i32>} : memref<8960xf32, #tpu.memory_space<vmem>>, vector<16xf32>,
        %get3A_158 = vector.shape_cast %get3A_157 : vector<16xf32> to vector<16xf32>
        %ge3A_159 = arith.cmpf oge, %get3A_158, %bitcast_convert_type3A_99 : vector<16xf32>
        %jit3A_160 = arith.constant 1 : i32
        %jit3A_161 = arith.constant 0 : i32
        %broadcast_in_dim3A_162 = vector.broadcast %jit3A_160 : i32 to vector<16xi32>
        %broadcast_in_dim3A_163 = vector.broadcast %jit3A_161 : i32 to vector<16xi32>
        %select_n3A_164 = arith.select %ge3A_159, %broadcast_in_dim3A_162, %broadcast_in_dim3A_163 : vector<16xi1>, vector<16xi32>
        %mul3A_165 = arith.constant 64 : i32
        %mul3A_166 = arith.muli %scan3A_139, %mul3A_165 : i32
        %add3A_167 = arith.constant 32 : i32
        %add3A_168 = arith.addi %mul3A_166, %add3A_167 : i32
        %get3A_169 = arith.index_cast %add3A_168 : i32 to index
        %get3A_170 = tpu.vector_load %arg5[%get3A_169] {strides = array<i32>} : memref<8960xf32, #tpu.memory_space<vmem>>, vector<16xf32>,
        %get3A_171 = vector.shape_cast %get3A_170 : vector<16xf32> to vector<16xf32>
        %ge3A_172 = arith.cmpf oge, %get3A_171, %bitcast_convert_type3A_99 : vector<16xf32>
        %jit3A_173 = arith.constant 1 : i32
        %jit3A_174 = arith.constant 0 : i32
        %broadcast_in_dim3A_175 = vector.broadcast %jit3A_173 : i32 to vector<16xi32>
        %broadcast_in_dim3A_176 = vector.broadcast %jit3A_174 : i32 to vector<16xi32>
        %select_n3A_177 = arith.select %ge3A_172, %broadcast_in_dim3A_175, %broadcast_in_dim3A_176 : vector<16xi1>, vector<16xi32>
        %mul3A_178 = arith.constant 64 : i32
        %mul3A_179 = arith.muli %scan3A_139, %mul3A_178 : i32
        %add3A_180 = arith.constant 48 : i32
        %add3A_181 = arith.addi %mul3A_179, %add3A_180 : i32
        %get3A_182 = arith.index_cast %add3A_181 : i32 to index
        %get3A_183 = tpu.vector_load %arg5[%get3A_182] {strides = array<i32>} : memref<8960xf32, #tpu.memory_space<vmem>>, vector<16xf32>,
        %get3A_184 = vector.shape_cast %get3A_183 : vector<16xf32> to vector<16xf32>
        %ge3A_185 = arith.cmpf oge, %get3A_184, %bitcast_convert_type3A_99 : vector<16xf32>
        %jit3A_186 = arith.constant 1 : i32
        %jit3A_187 = arith.constant 0 : i32
        %broadcast_in_dim3A_188 = vector.broadcast %jit3A_186 : i32 to vector<16xi32>
        %broadcast_in_dim3A_189 = vector.broadcast %jit3A_187 : i32 to vector<16xi32>
        %select_n3A_190 = arith.select %ge3A_185, %broadcast_in_dim3A_188, %broadcast_in_dim3A_189 : vector<16xi1>, vector<16xi32>
        %add3A_191 = arith.addi %select_n3A_151, %select_n3A_164 : vector<16xi32>
        %add3A_192 = arith.addi %select_n3A_177, %select_n3A_190 : vector<16xi32>
        %add3A_193 = arith.addi %add3A_191, %add3A_192 : vector<16xi32>
        %add3A_194 = arith.addi %scan3A_140, %add3A_193 : vector<16xi32>
        scf.yield %add3A_194 : vector<16xi32>
      }
      %scan3A_107 = arith.constant 140 : i32
      %iota3A_108 = tpu.iota {dimensions = array<i32: 0>} : vector<16xi32>
      %xor3A_109 = arith.constant 1 : i32
      %xor3A_110 = vector.broadcast %xor3A_109 : i32 to vector<16xi32>
      %xor3A_111 = arith.xori %iota3A_108, %xor3A_110 : vector<16xi32>
      %broadcast_in_dim3A_112 = vector.shape_cast %xor3A_111 : vector<16xi32> to vector<16x1xi32>
      %gather3A_113 = vector.shape_cast %broadcast_in_dim3A_112 : vector<16x1xi32> to vector<16xi32>
      %gather3A_114 = tpu.dynamic_gather %scan3A_106[%gather3A_113] in [0] : vector<16xi32>, vector<16xi32> -> vector<16xi32>
      %add3A_115 = arith.addi %scan3A_106, %gather3A_114 : vector<16xi32>
      %xor3A_116 = arith.constant 2 : i32
      %xor3A_117 = vector.broadcast %xor3A_116 : i32 to vector<16xi32>
      %xor3A_118 = arith.xori %iota3A_108, %xor3A_117 : vector<16xi32>
      %broadcast_in_dim3A_119 = vector.shape_cast %xor3A_118 : vector<16xi32> to vector<16x1xi32>
      %gather3A_120 = vector.shape_cast %broadcast_in_dim3A_119 : vector<16x1xi32> to vector<16xi32>
      %gather3A_121 = tpu.dynamic_gather %add3A_115[%gather3A_120] in [0] : vector<16xi32>, vector<16xi32> -> vector<16xi32>
      %add3A_122 = arith.addi %add3A_115, %gather3A_121 : vector<16xi32>
      %xor3A_123 = arith.constant 4 : i32
      %xor3A_124 = vector.broadcast %xor3A_123 : i32 to vector<16xi32>
      %xor3A_125 = arith.xori %iota3A_108, %xor3A_124 : vector<16xi32>
      %broadcast_in_dim3A_126 = vector.shape_cast %xor3A_125 : vector<16xi32> to vector<16x1xi32>
      %gather3A_127 = vector.shape_cast %broadcast_in_dim3A_126 : vector<16x1xi32> to vector<16xi32>
      %gather3A_128 = tpu.dynamic_gather %add3A_122[%gather3A_127] in [0] : vector<16xi32>, vector<16xi32> -> vector<16xi32>
      %add3A_129 = arith.addi %add3A_122, %gather3A_128 : vector<16xi32>
      %xor3A_130 = arith.constant 8 : i32
      %xor3A_131 = vector.broadcast %xor3A_130 : i32 to vector<16xi32>
      %xor3A_132 = arith.xori %iota3A_108, %xor3A_131 : vector<16xi32>
      %broadcast_in_dim3A_133 = vector.shape_cast %xor3A_132 : vector<16xi32> to vector<16x1xi32>
      %gather3A_134 = vector.shape_cast %broadcast_in_dim3A_133 : vector<16x1xi32> to vector<16xi32>
      %gather3A_135 = tpu.dynamic_gather %add3A_129[%gather3A_134] in [0] : vector<16xi32>, vector<16xi32> -> vector<16xi32>
      %add3A_136 = arith.addi %add3A_129, %gather3A_135 : vector<16xi32>
      %ge3A = arith.cmpi sge, %add3A_136, %min3A_10 : vector<16xi32>
      %select_n3A_137 = arith.select %ge3A, %add3A_98, %scan3A_93 : vector<16xi1>, vector<16xi32>
      %select_n3A_138 = arith.select %ge3A, %scan3A_94, %add3A_98 : vector<16xi1>, vector<16xi32>
      scf.yield %select_n3A_137, %select_n3A_138 : vector<16xi32>, vector<16xi32>
    }
    %scan3A_19 = arith.constant 31 : i32
    %bitcast_convert_type3A = tpu.bitcast %scan3A_18#0 : vector<16xi32> -> vector<16xf32>
    %broadcast_in_dim3A_20 = arith.constant 0.000000e+00 : f32
    %broadcast_in_dim3A_21 = vector.broadcast %broadcast_in_dim3A_20 : f32 to vector<16xf32>
    %scan3A_22 = arith.constant 0 : i32
    %scan3A_23 = arith.constant 140 : i32
    %scan3A_24 = arith.addi %scan3A_22, %scan3A_23 : i32
    %scan3A_25 = arith.constant 1 : i32
    %scan3A_26:2 = scf.for %scan3A_92 = %scan3A_22 to %scan3A_24 step %scan3A_25 iter_args(%scan3A_93 = %broadcast_in_dim3A_21, %scan3A_94 = %broadcast_in_dim3A_11) -> (vector<16xf32>, vector<16xi32>)  : i32 {
      %mul3A_95 = arith.constant 64 : i32
      %mul3A_96 = arith.muli %scan3A_92, %mul3A_95 : i32
      %add3A_97 = arith.constant 0 : i32
      %add3A_98 = arith.addi %mul3A_96, %add3A_97 : i32
      %get3A_99 = arith.index_cast %add3A_98 : i32 to index
      %get3A_100 = tpu.vector_load %arg5[%get3A_99] {strides = array<i32>} : memref<8960xf32, #tpu.memory_space<vmem>>, vector<16xf32>,
      %get3A_101 = vector.shape_cast %get3A_100 : vector<16xf32> to vector<16xf32>
      %gt3A_102 = arith.cmpf ogt, %get3A_101, %bitcast_convert_type3A : vector<16xf32>
      %jit3A_103 = arith.constant 0.000000e+00 : f32
      %broadcast_in_dim3A_104 = vector.broadcast %jit3A_103 : f32 to vector<16xf32>
      %select_n3A_105 = arith.select %gt3A_102, %get3A_101, %broadcast_in_dim3A_104 : vector<16xi1>, vector<16xf32>
      %add3A_106 = arith.addf %scan3A_93, %select_n3A_105 : vector<16xf32>
      %jit3A_107 = arith.constant 1 : i32
      %jit3A_108 = arith.constant 0 : i32
      %broadcast_in_dim3A_109 = vector.broadcast %jit3A_107 : i32 to vector<16xi32>
      %broadcast_in_dim3A_110 = vector.broadcast %jit3A_108 : i32 to vector<16xi32>
      %select_n3A_111 = arith.select %gt3A_102, %broadcast_in_dim3A_109, %broadcast_in_dim3A_110 : vector<16xi1>, vector<16xi32>
      %add3A_112 = arith.addi %scan3A_94, %select_n3A_111 : vector<16xi32>
      %mul3A_113 = arith.constant 64 : i32
      %mul3A_114 = arith.muli %scan3A_92, %mul3A_113 : i32
      %add3A_115 = arith.constant 16 : i32
      %add3A_116 = arith.addi %mul3A_114, %add3A_115 : i32
      %get3A_117 = arith.index_cast %add3A_116 : i32 to index
      %get3A_118 = tpu.vector_load %arg5[%get3A_117] {strides = array<i32>} : memref<8960xf32, #tpu.memory_space<vmem>>, vector<16xf32>,
      %get3A_119 = vector.shape_cast %get3A_118 : vector<16xf32> to vector<16xf32>
      %gt3A_120 = arith.cmpf ogt, %get3A_119, %bitcast_convert_type3A : vector<16xf32>
      %jit3A_121 = arith.constant 0.000000e+00 : f32
      %broadcast_in_dim3A_122 = vector.broadcast %jit3A_121 : f32 to vector<16xf32>
      %select_n3A_123 = arith.select %gt3A_120, %get3A_119, %broadcast_in_dim3A_122 : vector<16xi1>, vector<16xf32>
      %add3A_124 = arith.addf %add3A_106, %select_n3A_123 : vector<16xf32>
      %jit3A_125 = arith.constant 1 : i32
      %jit3A_126 = arith.constant 0 : i32
      %broadcast_in_dim3A_127 = vector.broadcast %jit3A_125 : i32 to vector<16xi32>
      %broadcast_in_dim3A_128 = vector.broadcast %jit3A_126 : i32 to vector<16xi32>
      %select_n3A_129 = arith.select %gt3A_120, %broadcast_in_dim3A_127, %broadcast_in_dim3A_128 : vector<16xi1>, vector<16xi32>
      %add3A_130 = arith.addi %add3A_112, %select_n3A_129 : vector<16xi32>
      %mul3A_131 = arith.constant 64 : i32
      %mul3A_132 = arith.muli %scan3A_92, %mul3A_131 : i32
      %add3A_133 = arith.constant 32 : i32
      %add3A_134 = arith.addi %mul3A_132, %add3A_133 : i32
      %get3A_135 = arith.index_cast %add3A_134 : i32 to index
      %get3A_136 = tpu.vector_load %arg5[%get3A_135] {strides = array<i32>} : memref<8960xf32, #tpu.memory_space<vmem>>, vector<16xf32>,
      %get3A_137 = vector.shape_cast %get3A_136 : vector<16xf32> to vector<16xf32>
      %gt3A_138 = arith.cmpf ogt, %get3A_137, %bitcast_convert_type3A : vector<16xf32>
      %jit3A_139 = arith.constant 0.000000e+00 : f32
      %broadcast_in_dim3A_140 = vector.broadcast %jit3A_139 : f32 to vector<16xf32>
      %select_n3A_141 = arith.select %gt3A_138, %get3A_137, %broadcast_in_dim3A_140 : vector<16xi1>, vector<16xf32>
      %add3A_142 = arith.addf %add3A_124, %select_n3A_141 : vector<16xf32>
      %jit3A_143 = arith.constant 1 : i32
      %jit3A_144 = arith.constant 0 : i32
      %broadcast_in_dim3A_145 = vector.broadcast %jit3A_143 : i32 to vector<16xi32>
      %broadcast_in_dim3A_146 = vector.broadcast %jit3A_144 : i32 to vector<16xi32>
      %select_n3A_147 = arith.select %gt3A_138, %broadcast_in_dim3A_145, %broadcast_in_dim3A_146 : vector<16xi1>, vector<16xi32>
      %add3A_148 = arith.addi %add3A_130, %select_n3A_147 : vector<16xi32>
      %mul3A_149 = arith.constant 64 : i32
      %mul3A_150 = arith.muli %scan3A_92, %mul3A_149 : i32
      %add3A_151 = arith.constant 48 : i32
      %add3A_152 = arith.addi %mul3A_150, %add3A_151 : i32
      %get3A_153 = arith.index_cast %add3A_152 : i32 to index
      %get3A_154 = tpu.vector_load %arg5[%get3A_153] {strides = array<i32>} : memref<8960xf32, #tpu.memory_space<vmem>>, vector<16xf32>,
      %get3A_155 = vector.shape_cast %get3A_154 : vector<16xf32> to vector<16xf32>
      %gt3A_156 = arith.cmpf ogt, %get3A_155, %bitcast_convert_type3A : vector<16xf32>
      %jit3A_157 = arith.constant 0.000000e+00 : f32
      %broadcast_in_dim3A_158 = vector.broadcast %jit3A_157 : f32 to vector<16xf32>
      %select_n3A_159 = arith.select %gt3A_156, %get3A_155, %broadcast_in_dim3A_158 : vector<16xi1>, vector<16xf32>
      %add3A_160 = arith.addf %add3A_142, %select_n3A_159 : vector<16xf32>
      %jit3A_161 = arith.constant 1 : i32
      %jit3A_162 = arith.constant 0 : i32
      %broadcast_in_dim3A_163 = vector.broadcast %jit3A_161 : i32 to vector<16xi32>
      %broadcast_in_dim3A_164 = vector.broadcast %jit3A_162 : i32 to vector<16xi32>
      %select_n3A_165 = arith.select %gt3A_156, %broadcast_in_dim3A_163, %broadcast_in_dim3A_164 : vector<16xi1>, vector<16xi32>
      %add3A_166 = arith.addi %add3A_148, %select_n3A_165 : vector<16xi32>
      scf.yield %add3A_160, %add3A_166 : vector<16xf32>, vector<16xi32>
    }
    %scan3A_27 = arith.constant 140 : i32
    %iota3A = tpu.iota {dimensions = array<i32: 0>} : vector<16xi32>
    %xor3A = arith.constant 1 : i32
    %xor3A_28 = vector.broadcast %xor3A : i32 to vector<16xi32>
    %xor3A_29 = arith.xori %iota3A, %xor3A_28 : vector<16xi32>
    %broadcast_in_dim3A_30 = vector.shape_cast %xor3A_29 : vector<16xi32> to vector<16x1xi32>
    %gather3A = vector.shape_cast %broadcast_in_dim3A_30 : vector<16x1xi32> to vector<16xi32>
    %gather3A_31 = tpu.dynamic_gather %scan3A_26#1[%gather3A] in [0] : vector<16xi32>, vector<16xi32> -> vector<16xi32>
    %add3A_32 = arith.addi %scan3A_26#1, %gather3A_31 : vector<16xi32>
    %xor3A_33 = arith.constant 2 : i32
    %xor3A_34 = vector.broadcast %xor3A_33 : i32 to vector<16xi32>
    %xor3A_35 = arith.xori %iota3A, %xor3A_34 : vector<16xi32>
    %broadcast_in_dim3A_36 = vector.shape_cast %xor3A_35 : vector<16xi32> to vector<16x1xi32>
    %gather3A_37 = vector.shape_cast %broadcast_in_dim3A_36 : vector<16x1xi32> to vector<16xi32>
    %gather3A_38 = tpu.dynamic_gather %add3A_32[%gather3A_37] in [0] : vector<16xi32>, vector<16xi32> -> vector<16xi32>
    %add3A_39 = arith.addi %add3A_32, %gather3A_38 : vector<16xi32>
    %xor3A_40 = arith.constant 4 : i32
    %xor3A_41 = vector.broadcast %xor3A_40 : i32 to vector<16xi32>
    %xor3A_42 = arith.xori %iota3A, %xor3A_41 : vector<16xi32>
    %broadcast_in_dim3A_43 = vector.shape_cast %xor3A_42 : vector<16xi32> to vector<16x1xi32>
    %gather3A_44 = vector.shape_cast %broadcast_in_dim3A_43 : vector<16x1xi32> to vector<16xi32>
    %gather3A_45 = tpu.dynamic_gather %add3A_39[%gather3A_44] in [0] : vector<16xi32>, vector<16xi32> -> vector<16xi32>
    %add3A_46 = arith.addi %add3A_39, %gather3A_45 : vector<16xi32>
    %xor3A_47 = arith.constant 8 : i32
    %xor3A_48 = vector.broadcast %xor3A_47 : i32 to vector<16xi32>
    %xor3A_49 = arith.xori %iota3A, %xor3A_48 : vector<16xi32>
    %broadcast_in_dim3A_50 = vector.shape_cast %xor3A_49 : vector<16xi32> to vector<16x1xi32>
    %gather3A_51 = vector.shape_cast %broadcast_in_dim3A_50 : vector<16x1xi32> to vector<16xi32>
    %gather3A_52 = tpu.dynamic_gather %add3A_46[%gather3A_51] in [0] : vector<16xi32>, vector<16xi32> -> vector<16xi32>
    %add3A_53 = arith.addi %add3A_46, %gather3A_52 : vector<16xi32>
    %sub3A_54 = arith.subi %min3A_10, %add3A_53 : vector<16xi32>
    %convert_element_type3A = arith.sitofp %sub3A_54 : vector<16xi32> to vector<16xf32>
    %iota3A_55 = tpu.iota {dimensions = array<i32: 0>} : vector<16xi32>
    %xor3A_56 = arith.constant 1 : i32
    %xor3A_57 = vector.broadcast %xor3A_56 : i32 to vector<16xi32>
    %xor3A_58 = arith.xori %iota3A_55, %xor3A_57 : vector<16xi32>
    %broadcast_in_dim3A_59 = vector.shape_cast %xor3A_58 : vector<16xi32> to vector<16x1xi32>
    %gather3A_60 = vector.shape_cast %broadcast_in_dim3A_59 : vector<16x1xi32> to vector<16xi32>
    %gather3A_61 = tpu.dynamic_gather %scan3A_26#0[%gather3A_60] in [0] : vector<16xf32>, vector<16xi32> -> vector<16xf32>
    %add3A_62 = arith.addf %scan3A_26#0, %gather3A_61 : vector<16xf32>
    %xor3A_63 = arith.constant 2 : i32
    %xor3A_64 = vector.broadcast %xor3A_63 : i32 to vector<16xi32>
    %xor3A_65 = arith.xori %iota3A_55, %xor3A_64 : vector<16xi32>
    %broadcast_in_dim3A_66 = vector.shape_cast %xor3A_65 : vector<16xi32> to vector<16x1xi32>
    %gather3A_67 = vector.shape_cast %broadcast_in_dim3A_66 : vector<16x1xi32> to vector<16xi32>
    %gather3A_68 = tpu.dynamic_gather %add3A_62[%gather3A_67] in [0] : vector<16xf32>, vector<16xi32> -> vector<16xf32>
    %add3A_69 = arith.addf %add3A_62, %gather3A_68 : vector<16xf32>
    %xor3A_70 = arith.constant 4 : i32
    %xor3A_71 = vector.broadcast %xor3A_70 : i32 to vector<16xi32>
    %xor3A_72 = arith.xori %iota3A_55, %xor3A_71 : vector<16xi32>
    %broadcast_in_dim3A_73 = vector.shape_cast %xor3A_72 : vector<16xi32> to vector<16x1xi32>
    %gather3A_74 = vector.shape_cast %broadcast_in_dim3A_73 : vector<16x1xi32> to vector<16xi32>
    %gather3A_75 = tpu.dynamic_gather %add3A_69[%gather3A_74] in [0] : vector<16xf32>, vector<16xi32> -> vector<16xf32>
    %add3A_76 = arith.addf %add3A_69, %gather3A_75 : vector<16xf32>
    %xor3A_77 = arith.constant 8 : i32
    %xor3A_78 = vector.broadcast %xor3A_77 : i32 to vector<16xi32>
    %xor3A_79 = arith.xori %iota3A_55, %xor3A_78 : vector<16xi32>
    %broadcast_in_dim3A_80 = vector.shape_cast %xor3A_79 : vector<16xi32> to vector<16x1xi32>
    %gather3A_81 = vector.shape_cast %broadcast_in_dim3A_80 : vector<16x1xi32> to vector<16xi32>
    %gather3A_82 = tpu.dynamic_gather %add3A_76[%gather3A_81] in [0] : vector<16xf32>, vector<16xi32> -> vector<16xf32>
    %add3A_83 = arith.addf %add3A_76, %gather3A_82 : vector<16xf32>
    %mul3A_84 = arith.mulf %convert_element_type3A, %bitcast_convert_type3A : vector<16xf32>
    %add3A_85 = arith.addf %add3A_83, %mul3A_84 : vector<16xf32>
    %gt3A = arith.constant 0 : i32
    %gt3A_86 = vector.broadcast %gt3A : i32 to vector<16xi32>
    %gt3A_87 = arith.cmpi sgt, %min3A_10, %gt3A_86 : vector<16xi32>
    %jit3A = arith.constant 0.000000e+00 : f32
    %broadcast_in_dim3A_88 = vector.broadcast %jit3A : f32 to vector<16xf32>
    %select_n3A = arith.select %gt3A_87, %add3A_85, %broadcast_in_dim3A_88 : vector<16xi1>, vector<16xf32>
    %swap3A = arith.constant 0 : index
    %swap3A_89 = tpu.vector_load %arg7[%swap3A] {strides = array<i32>} : memref<16xf32, #tpu.memory_space<vmem>>, vector<16xf32>,
    %swap3A_90 = vector.shape_cast %swap3A_89 : vector<16xf32> to vector<16xf32>
    %swap3A_91 = vector.shape_cast %select_n3A : vector<16xf32> to vector<16xf32>
    tpu.vector_store %arg7[%swap3A], %swap3A_91 {strides = array<i32>} : memref<16xf32, #tpu.memory_space<vmem>>, vector<16xf32>,
    "tpu.region"() ({
      %run_scoped3A = tpu.sem_alloc : memref<!tpu.dma_semaphore, #tpu.memory_space<semaphore_mem>>
      %dma_start3A = arith.constant 0 : i32
      %dma_start3A_92 = tpu.memref_slice %arg4[%add3A, %dma_start3A] : memref<32x16xf32, #tpu.memory_space<hbm>> -> memref<1x16xf32, #tpu.memory_space<hbm>>
      %dma_start3A_93 = tpu.memref_squeeze %dma_start3A_92 : memref<1x16xf32, #tpu.memory_space<hbm>> -> memref<16xf32, #tpu.memory_space<hbm>>
      %dma_start3A_94 = arith.constant 0 : i32
      %dma_start3A_95 = tpu.memref_slice %arg4[%add3A, %dma_start3A_94] : memref<32x16xf32, #tpu.memory_space<hbm>> -> memref<1x16xf32, #tpu.memory_space<hbm>>
      %dma_start3A_96 = tpu.memref_squeeze %dma_start3A_95 : memref<1x16xf32, #tpu.memory_space<hbm>> -> memref<16xf32, #tpu.memory_space<hbm>>
      tpu.enqueue_dma source(%arg7 : memref<16xf32, #tpu.memory_space<vmem>>) target(%dma_start3A_96 : memref<16xf32, #tpu.memory_space<hbm>>) target_semaphore(%run_scoped3A : memref<!tpu.dma_semaphore, #tpu.memory_space<semaphore_mem>>)
      %dma_wait3A = arith.constant 0 : i32
      %dma_wait3A_97 = tpu.memref_slice %arg4[%add3A, %dma_wait3A] : memref<32x16xf32, #tpu.memory_space<hbm>> -> memref<1x16xf32, #tpu.memory_space<hbm>>
      %dma_wait3A_98 = tpu.memref_squeeze %dma_wait3A_97 : memref<1x16xf32, #tpu.memory_space<hbm>> -> memref<16xf32, #tpu.memory_space<hbm>>
      %dma_wait3A_99 = arith.constant 0 : i32
      %dma_wait3A_100 = tpu.memref_slice %arg4[%add3A, %dma_wait3A_99] : memref<32x16xf32, #tpu.memory_space<hbm>> -> memref<1x16xf32, #tpu.memory_space<hbm>>
      %dma_wait3A_101 = tpu.memref_squeeze %dma_wait3A_100 : memref<1x16xf32, #tpu.memory_space<hbm>> -> memref<16xf32, #tpu.memory_space<hbm>>
      tpu.wait_dma2 semaphore(%run_scoped3A : memref<!tpu.dma_semaphore, #tpu.memory_space<semaphore_mem>>) src(%arg7 : memref<16xf32, #tpu.memory_space<vmem>>) dst(%dma_wait3A_101 : memref<16xf32, #tpu.memory_space<hbm>>)
      tpu.yield
    }) : () -> ()
    return
  }
}

module attributes {stable_mosaic.version = 14 : i64} {
  func.func @_match_body(%arg0: i32, %arg1: i32, %arg2: memref<1x24x5xf32, #tpu.memory_space<vmem>>, %arg3: memref<4x8960xf32, #tpu.memory_space<vmem>>, %arg4: memref<1x1x8960xf32, #tpu.memory_space<vmem>>, %arg5: memref<1x1x8960xi32, #tpu.memory_space<vmem>>, %arg6: memref<1x24x1xf32, #tpu.memory_space<vmem>>, %arg7: memref<1x24x1xi32, #tpu.memory_space<vmem>>) attributes {dimension_semantics = [#tpu.dimension_semantics<parallel>, #tpu.dimension_semantics<arbitrary>], iteration_bounds = array<i64: 32, 1>, scalar_prefetch = 0 : i64, scratch_operands = 0 : i64, tpu.core_type = #tpu.core_type<tc>, window_params = [{transform_indices = @transform_0, window_bounds = array<i64: 1, 24, 5>}, {transform_indices = @transform_1, window_bounds = array<i64: 4, 8960>}, {transform_indices = @transform_2, window_bounds = array<i64: 1, 1, 8960>}, {transform_indices = @transform_3, window_bounds = array<i64: 1, 1, 8960>}, {transform_indices = @transform_4, window_bounds = array<i64: 1, 24, 1>}, {transform_indices = @transform_5, window_bounds = array<i64: 1, 24, 1>}]} {
    %get3A = arith.constant 0 : index
    %get3A_0 = arith.constant 0 : index
    %get3A_1 = arith.constant 0 : index
    %get3A_2 = vector.load %arg2[%get3A, %get3A_0, %get3A_1] : memref<1x24x5xf32, #tpu.memory_space<vmem>>, vector<1x24x5xf32>
    %get3A_3 = vector.shape_cast %get3A_2 : vector<1x24x5xf32> to vector<24x5xf32>
    %slice3A = vector.extract_strided_slice %get3A_3 {offsets = [0, 0], sizes = [24, 1], strides = [1, 1]} : vector<24x5xf32> to vector<24x1xf32>
    %slice3A_4 = vector.extract_strided_slice %get3A_3 {offsets = [0, 1], sizes = [24, 1], strides = [1, 1]} : vector<24x5xf32> to vector<24x1xf32>
    %slice3A_5 = vector.extract_strided_slice %get3A_3 {offsets = [0, 2], sizes = [24, 1], strides = [1, 1]} : vector<24x5xf32> to vector<24x1xf32>
    %slice3A_6 = vector.extract_strided_slice %get3A_3 {offsets = [0, 3], sizes = [24, 1], strides = [1, 1]} : vector<24x5xf32> to vector<24x1xf32>
    %get3A_7 = arith.constant 0 : index
    %get3A_8 = arith.constant 0 : index
    %get3A_9 = vector.load %arg3[%get3A_7, %get3A_8] : memref<4x8960xf32, #tpu.memory_space<vmem>>, vector<4x8960xf32>
    %slice3A_10 = vector.extract_strided_slice %get3A_9 {offsets = [0, 0], sizes = [1, 8960], strides = [1, 1]} : vector<4x8960xf32> to vector<1x8960xf32>
    %slice3A_11 = vector.extract_strided_slice %get3A_9 {offsets = [1, 0], sizes = [1, 8960], strides = [1, 1]} : vector<4x8960xf32> to vector<1x8960xf32>
    %slice3A_12 = vector.extract_strided_slice %get3A_9 {offsets = [2, 0], sizes = [1, 8960], strides = [1, 1]} : vector<4x8960xf32> to vector<1x8960xf32>
    %slice3A_13 = vector.extract_strided_slice %get3A_9 {offsets = [3, 0], sizes = [1, 8960], strides = [1, 1]} : vector<4x8960xf32> to vector<1x8960xf32>
    %mul3A = arith.constant 5.000000e-01 : f32
    %mul3A_14 = vector.broadcast %mul3A : f32 to vector<1x8960xf32>
    %mul3A_15 = arith.mulf %mul3A_14, %slice3A_12 : vector<1x8960xf32>
    %sub3A = arith.subf %slice3A_10, %mul3A_15 : vector<1x8960xf32>
    %mul3A_16 = arith.constant 5.000000e-01 : f32
    %mul3A_17 = vector.broadcast %mul3A_16 : f32 to vector<1x8960xf32>
    %mul3A_18 = arith.mulf %mul3A_17, %slice3A_13 : vector<1x8960xf32>
    %sub3A_19 = arith.subf %slice3A_11, %mul3A_18 : vector<1x8960xf32>
    %mul3A_20 = arith.constant 5.000000e-01 : f32
    %mul3A_21 = vector.broadcast %mul3A_20 : f32 to vector<1x8960xf32>
    %mul3A_22 = arith.mulf %mul3A_21, %slice3A_12 : vector<1x8960xf32>
    %add3A = arith.addf %slice3A_10, %mul3A_22 : vector<1x8960xf32>
    %mul3A_23 = arith.constant 5.000000e-01 : f32
    %mul3A_24 = vector.broadcast %mul3A_23 : f32 to vector<1x8960xf32>
    %mul3A_25 = arith.mulf %mul3A_24, %slice3A_13 : vector<1x8960xf32>
    %add3A_26 = arith.addf %slice3A_11, %mul3A_25 : vector<1x8960xf32>
    %min3A = vector.broadcast %slice3A_5 : vector<24x1xf32> to vector<24x8960xf32>
    %min3A_27 = vector.broadcast %add3A : vector<1x8960xf32> to vector<24x8960xf32>
    %min3A_28 = arith.minimumf %min3A, %min3A_27 : vector<24x8960xf32>
    %max3A = vector.broadcast %slice3A : vector<24x1xf32> to vector<24x8960xf32>
    %max3A_29 = vector.broadcast %sub3A : vector<1x8960xf32> to vector<24x8960xf32>
    %max3A_30 = arith.maximumf %max3A, %max3A_29 : vector<24x8960xf32>
    %sub3A_31 = arith.subf %min3A_28, %max3A_30 : vector<24x8960xf32>
    %jit3A = arith.constant 0.000000e+00 : f32
    %max3A_32 = vector.broadcast %jit3A : f32 to vector<24x8960xf32>
    %max3A_33 = arith.maximumf %max3A_32, %sub3A_31 : vector<24x8960xf32>
    %min3A_34 = vector.broadcast %slice3A_6 : vector<24x1xf32> to vector<24x8960xf32>
    %min3A_35 = vector.broadcast %add3A_26 : vector<1x8960xf32> to vector<24x8960xf32>
    %min3A_36 = arith.minimumf %min3A_34, %min3A_35 : vector<24x8960xf32>
    %max3A_37 = vector.broadcast %slice3A_4 : vector<24x1xf32> to vector<24x8960xf32>
    %max3A_38 = vector.broadcast %sub3A_19 : vector<1x8960xf32> to vector<24x8960xf32>
    %max3A_39 = arith.maximumf %max3A_37, %max3A_38 : vector<24x8960xf32>
    %sub3A_40 = arith.subf %min3A_36, %max3A_39 : vector<24x8960xf32>
    %jit3A_41 = arith.constant 0.000000e+00 : f32
    %max3A_42 = vector.broadcast %jit3A_41 : f32 to vector<24x8960xf32>
    %max3A_43 = arith.maximumf %max3A_42, %sub3A_40 : vector<24x8960xf32>
    %mul3A_44 = arith.mulf %max3A_33, %max3A_43 : vector<24x8960xf32>
    %sub3A_45 = arith.subf %slice3A_5, %slice3A : vector<24x1xf32>
    %sub3A_46 = arith.subf %slice3A_6, %slice3A_4 : vector<24x1xf32>
    %mul3A_47 = arith.mulf %sub3A_45, %sub3A_46 : vector<24x1xf32>
    %mul3A_48 = arith.mulf %slice3A_12, %slice3A_13 : vector<1x8960xf32>
    %add3A_49 = vector.broadcast %mul3A_47 : vector<24x1xf32> to vector<24x8960xf32>
    %add3A_50 = vector.broadcast %mul3A_48 : vector<1x8960xf32> to vector<24x8960xf32>
    %add3A_51 = arith.addf %add3A_49, %add3A_50 : vector<24x8960xf32>
    %sub3A_52 = arith.subf %add3A_51, %mul3A_44 : vector<24x8960xf32>
    %div3A = arith.divf %mul3A_44, %sub3A_52 : vector<24x8960xf32>
    %mul3A_53 = arith.constant 8960 : i32
    %mul3A_54 = arith.muli %arg1, %mul3A_53 : i32
    %iota3A = tpu.iota {dimensions = array<i32: 1>} : vector<1x8960xi32>
    %add3A_55 = vector.broadcast %mul3A_54 : i32 to vector<1x8960xi32>
    %add3A_56 = arith.addi %add3A_55, %iota3A : vector<1x8960xi32>
    %lt3A = arith.constant 8732 : i32
    %lt3A_57 = vector.broadcast %lt3A : i32 to vector<1x8960xi32>
    %lt3A_58 = arith.cmpi slt, %add3A_56, %lt3A_57 : vector<1x8960xi32>
    %jit3A_59 = arith.constant -1.000000e+00 : f32
    %broadcast_in_dim3A = vector.shape_cast %lt3A_58 : vector<1x8960xi1> to vector<1x8960xi1>
    %broadcast_in_dim3A_60 = vector.broadcast %broadcast_in_dim3A : vector<1x8960xi1> to vector<24x8960xi1>
    %broadcast_in_dim3A_61 = vector.broadcast %jit3A_59 : f32 to vector<24x8960xf32>
    %select_n3A = arith.select %broadcast_in_dim3A_60, %div3A, %broadcast_in_dim3A_61 : vector<24x8960xi1>, vector<24x8960xf32>
    %reduce_max3A = arith.constant dense<0xFF800000> : vector<8960xf32>
    %reduce_max3A_62 = vector.multi_reduction <maximumf>, %select_n3A, %reduce_max3A [0] : vector<24x8960xf32> to vector<8960xf32>
    %broadcast_in_dim3A_63 = vector.shape_cast %reduce_max3A_62 : vector<8960xf32> to vector<1x8960xf32>
    %iota3A_64 = tpu.iota {dimensions = array<i32: 0>} : vector<24x8960xi32>
    %eq3A = vector.broadcast %broadcast_in_dim3A_63 : vector<1x8960xf32> to vector<24x8960xf32>
    %eq3A_65 = arith.cmpf oeq, %select_n3A, %eq3A : vector<24x8960xf32>
    %jit3A_66 = arith.constant 24 : i32
    %broadcast_in_dim3A_67 = vector.broadcast %jit3A_66 : i32 to vector<24x8960xi32>
    %select_n3A_68 = arith.select %eq3A_65, %iota3A_64, %broadcast_in_dim3A_67 : vector<24x8960xi1>, vector<24x8960xi32>
    %reduce_min3A = arith.constant dense<2147483647> : vector<8960xi32>
    %reduce_min3A_69 = vector.multi_reduction <minsi>, %select_n3A_68, %reduce_min3A [0] : vector<24x8960xi32> to vector<8960xi32>
    %broadcast_in_dim3A_70 = vector.shape_cast %reduce_min3A_69 : vector<8960xi32> to vector<1x8960xi32>
    %swap3A = arith.constant 0 : index
    %swap3A_71 = arith.constant 0 : index
    %swap3A_72 = arith.constant 0 : index
    %swap3A_73 = vector.load %arg4[%swap3A, %swap3A_71, %swap3A_72] : memref<1x1x8960xf32, #tpu.memory_space<vmem>>, vector<1x1x8960xf32>
    %swap3A_74 = vector.shape_cast %swap3A_73 : vector<1x1x8960xf32> to vector<1x8960xf32>
    %swap3A_75 = vector.shape_cast %broadcast_in_dim3A_63 : vector<1x8960xf32> to vector<1x1x8960xf32>
    tpu.vector_store %arg4[%swap3A, %swap3A_71, %swap3A_72], %swap3A_75 {strides = array<i32>} : memref<1x1x8960xf32, #tpu.memory_space<vmem>>, vector<1x1x8960xf32>,
    %swap3A_76 = arith.constant 0 : index
    %swap3A_77 = arith.constant 0 : index
    %swap3A_78 = arith.constant 0 : index
    %swap3A_79 = vector.load %arg5[%swap3A_76, %swap3A_77, %swap3A_78] : memref<1x1x8960xi32, #tpu.memory_space<vmem>>, vector<1x1x8960xi32>
    %swap3A_80 = vector.shape_cast %swap3A_79 : vector<1x1x8960xi32> to vector<1x8960xi32>
    %swap3A_81 = vector.shape_cast %broadcast_in_dim3A_70 : vector<1x8960xi32> to vector<1x1x8960xi32>
    tpu.vector_store %arg5[%swap3A_76, %swap3A_77, %swap3A_78], %swap3A_81 {strides = array<i32>} : memref<1x1x8960xi32, #tpu.memory_space<vmem>>, vector<1x1x8960xi32>,
    %reduce_max3A_82 = arith.constant dense<0xFF800000> : vector<24xf32>
    %reduce_max3A_83 = vector.multi_reduction <maximumf>, %select_n3A, %reduce_max3A_82 [1] : vector<24x8960xf32> to vector<24xf32>
    %broadcast_in_dim3A_84 = vector.shape_cast %reduce_max3A_83 : vector<24xf32> to vector<24x1xf32>
    %broadcast_in_dim3A_85 = vector.shape_cast %add3A_56 : vector<1x8960xi32> to vector<1x8960xi32>
    %broadcast_in_dim3A_86 = vector.broadcast %broadcast_in_dim3A_85 : vector<1x8960xi32> to vector<24x8960xi32>
    %eq3A_87 = vector.broadcast %broadcast_in_dim3A_84 : vector<24x1xf32> to vector<24x8960xf32>
    %eq3A_88 = arith.cmpf oeq, %select_n3A, %eq3A_87 : vector<24x8960xf32>
    %jit3A_89 = arith.constant 34928 : i32
    %broadcast_in_dim3A_90 = vector.broadcast %jit3A_89 : i32 to vector<24x8960xi32>
    %select_n3A_91 = arith.select %eq3A_88, %broadcast_in_dim3A_86, %broadcast_in_dim3A_90 : vector<24x8960xi1>, vector<24x8960xi32>
    %reduce_min3A_92 = arith.constant dense<2147483647> : vector<24xi32>
    %reduce_min3A_93 = vector.multi_reduction <minsi>, %select_n3A_91, %reduce_min3A_92 [1] : vector<24x8960xi32> to vector<24xi32>
    %broadcast_in_dim3A_94 = vector.shape_cast %reduce_min3A_93 : vector<24xi32> to vector<24x1xi32>
    %eq3A_95 = arith.constant 0 : i32
    %eq3A_96 = arith.cmpi eq, %arg1, %eq3A_95 : i32
    %convert_element_type3A = arith.extui %eq3A_96 : i1 to i32
    %cond3A = arith.constant 0 : i32
    %cond3A_97 = arith.cmpi ne, %convert_element_type3A, %cond3A : i32
    scf.if %cond3A_97 {
      %swap3A_102 = arith.constant 0 : index
      %swap3A_103 = arith.constant 0 : index
      %swap3A_104 = arith.constant 0 : index
      %swap3A_105 = vector.load %arg6[%swap3A_102, %swap3A_103, %swap3A_104] : memref<1x24x1xf32, #tpu.memory_space<vmem>>, vector<1x24x1xf32>
      %swap3A_106 = vector.shape_cast %swap3A_105 : vector<1x24x1xf32> to vector<24x1xf32>
      %swap3A_107 = vector.shape_cast %broadcast_in_dim3A_84 : vector<24x1xf32> to vector<1x24x1xf32>
      tpu.vector_store %arg6[%swap3A_102, %swap3A_103, %swap3A_104], %swap3A_107 {strides = array<i32>} : memref<1x24x1xf32, #tpu.memory_space<vmem>>, vector<1x24x1xf32>,
      %swap3A_108 = arith.constant 0 : index
      %swap3A_109 = arith.constant 0 : index
      %swap3A_110 = arith.constant 0 : index
      %swap3A_111 = vector.load %arg7[%swap3A_108, %swap3A_109, %swap3A_110] : memref<1x24x1xi32, #tpu.memory_space<vmem>>, vector<1x24x1xi32>
      %swap3A_112 = vector.shape_cast %swap3A_111 : vector<1x24x1xi32> to vector<24x1xi32>
      %swap3A_113 = vector.shape_cast %broadcast_in_dim3A_94 : vector<24x1xi32> to vector<1x24x1xi32>
      tpu.vector_store %arg7[%swap3A_108, %swap3A_109, %swap3A_110], %swap3A_113 {strides = array<i32>} : memref<1x24x1xi32, #tpu.memory_space<vmem>>, vector<1x24x1xi32>,
    } else {
    }
    %gt3A = arith.constant 0 : i32
    %gt3A_98 = arith.cmpi sgt, %arg1, %gt3A : i32
    %convert_element_type3A_99 = arith.extui %gt3A_98 : i1 to i32
    %cond3A_100 = arith.constant 0 : i32
    %cond3A_101 = arith.cmpi ne, %convert_element_type3A_99, %cond3A_100 : i32
    scf.if %cond3A_101 {
      %get3A_102 = arith.constant 0 : index
      %get3A_103 = arith.constant 0 : index
      %get3A_104 = arith.constant 0 : index
      %get3A_105 = vector.load %arg6[%get3A_102, %get3A_103, %get3A_104] : memref<1x24x1xf32, #tpu.memory_space<vmem>>, vector<1x24x1xf32>
      %get3A_106 = vector.shape_cast %get3A_105 : vector<1x24x1xf32> to vector<24x1xf32>
      %gt3A_107 = arith.cmpf ogt, %broadcast_in_dim3A_84, %get3A_106 : vector<24x1xf32>
      %select_n3A_108 = arith.select %gt3A_107, %broadcast_in_dim3A_84, %get3A_106 : vector<24x1xi1>, vector<24x1xf32>
      %swap3A_109 = arith.constant 0 : index
      %swap3A_110 = arith.constant 0 : index
      %swap3A_111 = arith.constant 0 : index
      %swap3A_112 = vector.load %arg6[%swap3A_109, %swap3A_110, %swap3A_111] : memref<1x24x1xf32, #tpu.memory_space<vmem>>, vector<1x24x1xf32>
      %swap3A_113 = vector.shape_cast %swap3A_112 : vector<1x24x1xf32> to vector<24x1xf32>
      %swap3A_114 = vector.shape_cast %select_n3A_108 : vector<24x1xf32> to vector<1x24x1xf32>
      tpu.vector_store %arg6[%swap3A_109, %swap3A_110, %swap3A_111], %swap3A_114 {strides = array<i32>} : memref<1x24x1xf32, #tpu.memory_space<vmem>>, vector<1x24x1xf32>,
      %get3A_115 = arith.constant 0 : index
      %get3A_116 = arith.constant 0 : index
      %get3A_117 = arith.constant 0 : index
      %get3A_118 = vector.load %arg7[%get3A_115, %get3A_116, %get3A_117] : memref<1x24x1xi32, #tpu.memory_space<vmem>>, vector<1x24x1xi32>
      %get3A_119 = vector.shape_cast %get3A_118 : vector<1x24x1xi32> to vector<24x1xi32>
      %select_n3A_120 = arith.select %gt3A_107, %broadcast_in_dim3A_94, %get3A_119 : vector<24x1xi1>, vector<24x1xi32>
      %swap3A_121 = arith.constant 0 : index
      %swap3A_122 = arith.constant 0 : index
      %swap3A_123 = arith.constant 0 : index
      %swap3A_124 = vector.load %arg7[%swap3A_121, %swap3A_122, %swap3A_123] : memref<1x24x1xi32, #tpu.memory_space<vmem>>, vector<1x24x1xi32>
      %swap3A_125 = vector.shape_cast %swap3A_124 : vector<1x24x1xi32> to vector<24x1xi32>
      %swap3A_126 = vector.shape_cast %select_n3A_120 : vector<24x1xi32> to vector<1x24x1xi32>
      tpu.vector_store %arg7[%swap3A_121, %swap3A_122, %swap3A_123], %swap3A_126 {strides = array<i32>} : memref<1x24x1xi32, #tpu.memory_space<vmem>>, vector<1x24x1xi32>,
    } else {
    }
    return
  }
  func.func @transform_0(%arg0: i32, %arg1: i32) -> (i32, i32, i32) {
    %c0_i32 = arith.constant 0 : i32
    %c0_i32_0 = arith.constant 0 : i32
    %c0_i32_1 = arith.constant 0 : i32
    return %arg0, %c0_i32, %c0_i32_0 : i32, i32, i32
  }
  func.func @transform_1(%arg0: i32, %arg1: i32) -> (i32, i32) {
    %c0_i32 = arith.constant 0 : i32
    %c0_i32_0 = arith.constant 0 : i32
    return %c0_i32, %arg1 : i32, i32
  }
  func.func @transform_2(%arg0: i32, %arg1: i32) -> (i32, i32, i32) {
    %c0_i32 = arith.constant 0 : i32
    %c0_i32_0 = arith.constant 0 : i32
    return %arg0, %c0_i32, %arg1 : i32, i32, i32
  }
  func.func @transform_3(%arg0: i32, %arg1: i32) -> (i32, i32, i32) {
    %c0_i32 = arith.constant 0 : i32
    %c0_i32_0 = arith.constant 0 : i32
    return %arg0, %c0_i32, %arg1 : i32, i32, i32
  }
  func.func @transform_4(%arg0: i32, %arg1: i32) -> (i32, i32, i32) {
    %c0_i32 = arith.constant 0 : i32
    %c0_i32_0 = arith.constant 0 : i32
    %c0_i32_1 = arith.constant 0 : i32
    return %arg0, %c0_i32, %c0_i32_0 : i32, i32, i32
  }
  func.func @transform_5(%arg0: i32, %arg1: i32) -> (i32, i32, i32) {
    %c0_i32 = arith.constant 0 : i32
    %c0_i32_0 = arith.constant 0 : i32
    %c0_i32_1 = arith.constant 0 : i32
    return %arg0, %c0_i32, %c0_i32_0 : i32, i32, i32
  }
}

module attributes {stable_mosaic.version = 14 : i64} {
  func.func @_target_body(%arg0: i32, %arg1: i32, %arg2: memref<1x24x5xf32, #tpu.memory_space<vmem>>, %arg3: memref<4x8960xf32, #tpu.memory_space<vmem>>, %arg4: memref<4x8960xf32, #tpu.memory_space<vmem>>, %arg5: memref<1x4x8960xf32, #tpu.memory_space<vmem>>, %arg6: memref<1x1x8960xf32, #tpu.memory_space<vmem>>, %arg7: memref<1x1x8960xi32, #tpu.memory_space<vmem>>, %arg8: memref<1x24x1xi32, #tpu.memory_space<vmem>>, %arg9: memref<1x1x8960xf32, #tpu.memory_space<vmem>>, %arg10: memref<1x1x1xi32, #tpu.memory_space<vmem>>, %arg11: memref<1x1x1xf32, #tpu.memory_space<vmem>>) attributes {dimension_semantics = [#tpu.dimension_semantics<parallel>, #tpu.dimension_semantics<arbitrary>], iteration_bounds = array<i64: 32, 1>, scalar_prefetch = 0 : i64, scratch_operands = 0 : i64, tpu.core_type = #tpu.core_type<tc>, window_params = [{transform_indices = @transform_0, window_bounds = array<i64: 1, 24, 5>}, {transform_indices = @transform_1, window_bounds = array<i64: 4, 8960>}, {transform_indices = @transform_2, window_bounds = array<i64: 4, 8960>}, {transform_indices = @transform_3, window_bounds = array<i64: 1, 4, 8960>}, {transform_indices = @transform_4, window_bounds = array<i64: 1, 1, 8960>}, {transform_indices = @transform_5, window_bounds = array<i64: 1, 1, 8960>}, {transform_indices = @transform_6, window_bounds = array<i64: 1, 24, 1>}, {transform_indices = @transform_7, window_bounds = array<i64: 1, 1, 8960>}, {transform_indices = @transform_8, window_bounds = array<i64: 1, 1, 1>}, {transform_indices = @transform_9, window_bounds = array<i64: 1, 1, 1>}]} {
    %get3A = arith.constant 0 : index
    %get3A_0 = arith.constant 0 : index
    %get3A_1 = arith.constant 0 : index
    %get3A_2 = vector.load %arg2[%get3A, %get3A_0, %get3A_1] : memref<1x24x5xf32, #tpu.memory_space<vmem>>, vector<1x24x5xf32>
    %get3A_3 = vector.shape_cast %get3A_2 : vector<1x24x5xf32> to vector<24x5xf32>
    %get3A_4 = arith.constant 0 : index
    %get3A_5 = arith.constant 0 : index
    %get3A_6 = arith.constant 0 : index
    %get3A_7 = vector.load %arg6[%get3A_4, %get3A_5, %get3A_6] : memref<1x1x8960xf32, #tpu.memory_space<vmem>>, vector<1x1x8960xf32>
    %get3A_8 = vector.shape_cast %get3A_7 : vector<1x1x8960xf32> to vector<1x8960xf32>
    %get3A_9 = arith.constant 0 : index
    %get3A_10 = arith.constant 0 : index
    %get3A_11 = arith.constant 0 : index
    %get3A_12 = vector.load %arg7[%get3A_9, %get3A_10, %get3A_11] : memref<1x1x8960xi32, #tpu.memory_space<vmem>>, vector<1x1x8960xi32>
    %get3A_13 = vector.shape_cast %get3A_12 : vector<1x1x8960xi32> to vector<1x8960xi32>
    %get3A_14 = arith.constant 0 : index
    %get3A_15 = arith.constant 0 : index
    %get3A_16 = arith.constant 0 : index
    %get3A_17 = vector.load %arg8[%get3A_14, %get3A_15, %get3A_16] : memref<1x24x1xi32, #tpu.memory_space<vmem>>, vector<1x24x1xi32>
    %get3A_18 = vector.shape_cast %get3A_17 : vector<1x24x1xi32> to vector<24x1xi32>
    %mul3A = arith.constant 8960 : i32
    %mul3A_19 = arith.muli %arg1, %mul3A : i32
    %iota3A = tpu.iota {dimensions = array<i32: 1>} : vector<1x8960xi32>
    %add3A = vector.broadcast %mul3A_19 : i32 to vector<1x8960xi32>
    %add3A_20 = arith.addi %add3A, %iota3A : vector<1x8960xi32>
    %lt3A = arith.constant 8732 : i32
    %lt3A_21 = vector.broadcast %lt3A : i32 to vector<1x8960xi32>
    %lt3A_22 = arith.cmpi slt, %add3A_20, %lt3A_21 : vector<1x8960xi32>
    %iota3A_23 = tpu.iota {dimensions = array<i32: 0>} : vector<24x8960xi32>
    %eq3A = vector.broadcast %get3A_18 : vector<24x1xi32> to vector<24x8960xi32>
    %eq3A_24 = vector.broadcast %add3A_20 : vector<1x8960xi32> to vector<24x8960xi32>
    %eq3A_25 = arith.cmpi eq, %eq3A, %eq3A_24 : vector<24x8960xi32>
    %jit3A = arith.constant -1 : i32
    %broadcast_in_dim3A = vector.broadcast %jit3A : i32 to vector<24x8960xi32>
    %select_n3A = arith.select %eq3A_25, %iota3A_23, %broadcast_in_dim3A : vector<24x8960xi1>, vector<24x8960xi32>
    %reduce_max3A = arith.constant dense<-2147483648> : vector<8960xi32>
    %reduce_max3A_26 = vector.multi_reduction <maxsi>, %select_n3A, %reduce_max3A [0] : vector<24x8960xi32> to vector<8960xi32>
    %broadcast_in_dim3A_27 = vector.shape_cast %reduce_max3A_26 : vector<8960xi32> to vector<1x8960xi32>
    %ge3A = arith.constant 0 : i32
    %ge3A_28 = vector.broadcast %ge3A : i32 to vector<1x8960xi32>
    %ge3A_29 = arith.cmpi sge, %broadcast_in_dim3A_27, %ge3A_28 : vector<1x8960xi32>
    %select_n3A_30 = arith.select %ge3A_29, %broadcast_in_dim3A_27, %get3A_13 : vector<1x8960xi1>, vector<1x8960xi32>
    %ge3A_31 = arith.constant 0 : i32
    %ge3A_32 = vector.broadcast %ge3A_31 : i32 to vector<1x8960xi32>
    %ge3A_33 = arith.cmpi sge, %broadcast_in_dim3A_27, %ge3A_32 : vector<1x8960xi32>
    %jit3A_34 = arith.constant 2.000000e+00 : f32
    %broadcast_in_dim3A_35 = vector.broadcast %jit3A_34 : f32 to vector<1x8960xf32>
    %select_n3A_36 = arith.select %ge3A_33, %broadcast_in_dim3A_35, %get3A_8 : vector<1x8960xi1>, vector<1x8960xf32>
    %eq3A_37 = vector.broadcast %select_n3A_30 : vector<1x8960xi32> to vector<24x8960xi32>
    %eq3A_38 = arith.cmpi eq, %iota3A_23, %eq3A_37 : vector<24x8960xi32>
    %slice3A = vector.extract_strided_slice %get3A_3 {offsets = [0, 4], sizes = [24, 1], strides = [1, 1]} : vector<24x5xf32> to vector<24x1xf32>
    %jit3A_39 = arith.constant 0.000000e+00 : f32
    %broadcast_in_dim3A_40 = vector.shape_cast %slice3A : vector<24x1xf32> to vector<24x1xf32>
    %broadcast_in_dim3A_41 = vector.broadcast %broadcast_in_dim3A_40 : vector<24x1xf32> to vector<24x8960xf32>
    %broadcast_in_dim3A_42 = vector.broadcast %jit3A_39 : f32 to vector<24x8960xf32>
    %select_n3A_43 = arith.select %eq3A_38, %broadcast_in_dim3A_41, %broadcast_in_dim3A_42 : vector<24x8960xi1>, vector<24x8960xf32>
    %reduce_sum3A = arith.constant dense<0.000000e+00> : vector<8960xf32>
    %reduce_sum3A_44 = vector.multi_reduction <add>, %select_n3A_43, %reduce_sum3A [0] : vector<24x8960xf32> to vector<8960xf32>
    %broadcast_in_dim3A_45 = vector.shape_cast %reduce_sum3A_44 : vector<8960xf32> to vector<1x8960xf32>
    %ge3A_46 = arith.constant 5.000000e-01 : f32
    %ge3A_47 = vector.broadcast %ge3A_46 : f32 to vector<1x8960xf32>
    %ge3A_48 = arith.cmpf oge, %select_n3A_36, %ge3A_47 : vector<1x8960xf32>
    %and3A = arith.andi %ge3A_48, %lt3A_22 : vector<1x8960xi1>
    %add3A_49 = arith.constant 1.000000e+00 : f32
    %add3A_50 = vector.broadcast %add3A_49 : f32 to vector<1x8960xf32>
    %add3A_51 = arith.addf %broadcast_in_dim3A_45, %add3A_50 : vector<1x8960xf32>
    %jit3A_52 = arith.constant 0.000000e+00 : f32
    %broadcast_in_dim3A_53 = vector.broadcast %jit3A_52 : f32 to vector<1x8960xf32>
    %select_n3A_54 = arith.select %and3A, %add3A_51, %broadcast_in_dim3A_53 : vector<1x8960xi1>, vector<1x8960xf32>
    %swap3A = arith.constant 0 : index
    %swap3A_55 = arith.constant 0 : index
    %swap3A_56 = arith.constant 0 : index
    %swap3A_57 = vector.load %arg9[%swap3A, %swap3A_55, %swap3A_56] : memref<1x1x8960xf32, #tpu.memory_space<vmem>>, vector<1x1x8960xf32>
    %swap3A_58 = vector.shape_cast %swap3A_57 : vector<1x1x8960xf32> to vector<1x8960xf32>
    %swap3A_59 = vector.shape_cast %select_n3A_54 : vector<1x8960xf32> to vector<1x1x8960xf32>
    tpu.vector_store %arg9[%swap3A, %swap3A_55, %swap3A_56], %swap3A_59 {strides = array<i32>} : memref<1x1x8960xf32, #tpu.memory_space<vmem>>, vector<1x1x8960xf32>,
    %gt3A = arith.constant 0.000000e+00 : f32
    %gt3A_60 = vector.broadcast %gt3A : f32 to vector<1x8960xf32>
    %gt3A_61 = arith.cmpf ogt, %select_n3A_54, %gt3A_60 : vector<1x8960xf32>
    %slice3A_62 = vector.extract_strided_slice %get3A_3 {offsets = [0, 0], sizes = [24, 1], strides = [1, 1]} : vector<24x5xf32> to vector<24x1xf32>
    %jit3A_63 = arith.constant 0.000000e+00 : f32
    %broadcast_in_dim3A_64 = vector.shape_cast %slice3A_62 : vector<24x1xf32> to vector<24x1xf32>
    %broadcast_in_dim3A_65 = vector.broadcast %broadcast_in_dim3A_64 : vector<24x1xf32> to vector<24x8960xf32>
    %broadcast_in_dim3A_66 = vector.broadcast %jit3A_63 : f32 to vector<24x8960xf32>
    %select_n3A_67 = arith.select %eq3A_38, %broadcast_in_dim3A_65, %broadcast_in_dim3A_66 : vector<24x8960xi1>, vector<24x8960xf32>
    %reduce_sum3A_68 = arith.constant dense<0.000000e+00> : vector<8960xf32>
    %reduce_sum3A_69 = vector.multi_reduction <add>, %select_n3A_67, %reduce_sum3A_68 [0] : vector<24x8960xf32> to vector<8960xf32>
    %broadcast_in_dim3A_70 = vector.shape_cast %reduce_sum3A_69 : vector<8960xf32> to vector<1x8960xf32>
    %slice3A_71 = vector.extract_strided_slice %get3A_3 {offsets = [0, 1], sizes = [24, 1], strides = [1, 1]} : vector<24x5xf32> to vector<24x1xf32>
    %jit3A_72 = arith.constant 0.000000e+00 : f32
    %broadcast_in_dim3A_73 = vector.shape_cast %slice3A_71 : vector<24x1xf32> to vector<24x1xf32>
    %broadcast_in_dim3A_74 = vector.broadcast %broadcast_in_dim3A_73 : vector<24x1xf32> to vector<24x8960xf32>
    %broadcast_in_dim3A_75 = vector.broadcast %jit3A_72 : f32 to vector<24x8960xf32>
    %select_n3A_76 = arith.select %eq3A_38, %broadcast_in_dim3A_74, %broadcast_in_dim3A_75 : vector<24x8960xi1>, vector<24x8960xf32>
    %reduce_sum3A_77 = arith.constant dense<0.000000e+00> : vector<8960xf32>
    %reduce_sum3A_78 = vector.multi_reduction <add>, %select_n3A_76, %reduce_sum3A_77 [0] : vector<24x8960xf32> to vector<8960xf32>
    %broadcast_in_dim3A_79 = vector.shape_cast %reduce_sum3A_78 : vector<8960xf32> to vector<1x8960xf32>
    %slice3A_80 = vector.extract_strided_slice %get3A_3 {offsets = [0, 2], sizes = [24, 1], strides = [1, 1]} : vector<24x5xf32> to vector<24x1xf32>
    %jit3A_81 = arith.constant 0.000000e+00 : f32
    %broadcast_in_dim3A_82 = vector.shape_cast %slice3A_80 : vector<24x1xf32> to vector<24x1xf32>
    %broadcast_in_dim3A_83 = vector.broadcast %broadcast_in_dim3A_82 : vector<24x1xf32> to vector<24x8960xf32>
    %broadcast_in_dim3A_84 = vector.broadcast %jit3A_81 : f32 to vector<24x8960xf32>
    %select_n3A_85 = arith.select %eq3A_38, %broadcast_in_dim3A_83, %broadcast_in_dim3A_84 : vector<24x8960xi1>, vector<24x8960xf32>
    %reduce_sum3A_86 = arith.constant dense<0.000000e+00> : vector<8960xf32>
    %reduce_sum3A_87 = vector.multi_reduction <add>, %select_n3A_85, %reduce_sum3A_86 [0] : vector<24x8960xf32> to vector<8960xf32>
    %broadcast_in_dim3A_88 = vector.shape_cast %reduce_sum3A_87 : vector<8960xf32> to vector<1x8960xf32>
    %slice3A_89 = vector.extract_strided_slice %get3A_3 {offsets = [0, 3], sizes = [24, 1], strides = [1, 1]} : vector<24x5xf32> to vector<24x1xf32>
    %jit3A_90 = arith.constant 0.000000e+00 : f32
    %broadcast_in_dim3A_91 = vector.shape_cast %slice3A_89 : vector<24x1xf32> to vector<24x1xf32>
    %broadcast_in_dim3A_92 = vector.broadcast %broadcast_in_dim3A_91 : vector<24x1xf32> to vector<24x8960xf32>
    %broadcast_in_dim3A_93 = vector.broadcast %jit3A_90 : f32 to vector<24x8960xf32>
    %select_n3A_94 = arith.select %eq3A_38, %broadcast_in_dim3A_92, %broadcast_in_dim3A_93 : vector<24x8960xi1>, vector<24x8960xf32>
    %reduce_sum3A_95 = arith.constant dense<0.000000e+00> : vector<8960xf32>
    %reduce_sum3A_96 = vector.multi_reduction <add>, %select_n3A_94, %reduce_sum3A_95 [0] : vector<24x8960xf32> to vector<8960xf32>
    %broadcast_in_dim3A_97 = vector.shape_cast %reduce_sum3A_96 : vector<8960xf32> to vector<1x8960xf32>
    %get3A_98 = arith.constant 0 : index
    %get3A_99 = arith.constant 0 : index
    %get3A_100 = vector.load %arg3[%get3A_98, %get3A_99] : memref<4x8960xf32, #tpu.memory_space<vmem>>, vector<4x8960xf32>
    %slice3A_101 = vector.extract_strided_slice %get3A_100 {offsets = [0, 0], sizes = [1, 8960], strides = [1, 1]} : vector<4x8960xf32> to vector<1x8960xf32>
    %slice3A_102 = vector.extract_strided_slice %get3A_100 {offsets = [1, 0], sizes = [1, 8960], strides = [1, 1]} : vector<4x8960xf32> to vector<1x8960xf32>
    %slice3A_103 = vector.extract_strided_slice %get3A_100 {offsets = [2, 0], sizes = [1, 8960], strides = [1, 1]} : vector<4x8960xf32> to vector<1x8960xf32>
    %slice3A_104 = vector.extract_strided_slice %get3A_100 {offsets = [3, 0], sizes = [1, 8960], strides = [1, 1]} : vector<4x8960xf32> to vector<1x8960xf32>
    %get3A_105 = arith.constant 0 : index
    %get3A_106 = arith.constant 0 : index
    %get3A_107 = vector.load %arg4[%get3A_105, %get3A_106] : memref<4x8960xf32, #tpu.memory_space<vmem>>, vector<4x8960xf32>
    %slice3A_108 = vector.extract_strided_slice %get3A_107 {offsets = [0, 0], sizes = [1, 8960], strides = [1, 1]} : vector<4x8960xf32> to vector<1x8960xf32>
    %slice3A_109 = vector.extract_strided_slice %get3A_107 {offsets = [1, 0], sizes = [1, 8960], strides = [1, 1]} : vector<4x8960xf32> to vector<1x8960xf32>
    %slice3A_110 = vector.extract_strided_slice %get3A_107 {offsets = [2, 0], sizes = [1, 8960], strides = [1, 1]} : vector<4x8960xf32> to vector<1x8960xf32>
    %slice3A_111 = vector.extract_strided_slice %get3A_107 {offsets = [3, 0], sizes = [1, 8960], strides = [1, 1]} : vector<4x8960xf32> to vector<1x8960xf32>
    %get3A_112 = arith.constant 0 : index
    %get3A_113 = arith.constant 0 : index
    %get3A_114 = arith.constant 0 : index
    %get3A_115 = vector.load %arg5[%get3A_112, %get3A_113, %get3A_114] : memref<1x4x8960xf32, #tpu.memory_space<vmem>>, vector<1x4x8960xf32>
    %get3A_116 = vector.shape_cast %get3A_115 : vector<1x4x8960xf32> to vector<4x8960xf32>
    %add3A_117 = arith.addf %broadcast_in_dim3A_70, %broadcast_in_dim3A_88 : vector<1x8960xf32>
    %mul3A_118 = arith.constant 5.000000e-01 : f32
    %mul3A_119 = vector.broadcast %mul3A_118 : f32 to vector<1x8960xf32>
    %mul3A_120 = arith.mulf %mul3A_119, %add3A_117 : vector<1x8960xf32>
    %sub3A = arith.subf %mul3A_120, %slice3A_101 : vector<1x8960xf32>
    %mul3A_121 = arith.mulf %slice3A_108, %slice3A_103 : vector<1x8960xf32>
    %div3A = arith.divf %sub3A, %mul3A_121 : vector<1x8960xf32>
    %add3A_122 = arith.addf %broadcast_in_dim3A_79, %broadcast_in_dim3A_97 : vector<1x8960xf32>
    %mul3A_123 = arith.constant 5.000000e-01 : f32
    %mul3A_124 = vector.broadcast %mul3A_123 : f32 to vector<1x8960xf32>
    %mul3A_125 = arith.mulf %mul3A_124, %add3A_122 : vector<1x8960xf32>
    %sub3A_126 = arith.subf %mul3A_125, %slice3A_102 : vector<1x8960xf32>
    %mul3A_127 = arith.mulf %slice3A_109, %slice3A_104 : vector<1x8960xf32>
    %div3A_128 = arith.divf %sub3A_126, %mul3A_127 : vector<1x8960xf32>
    %sub3A_129 = arith.subf %broadcast_in_dim3A_88, %broadcast_in_dim3A_70 : vector<1x8960xf32>
    %div3A_130 = arith.divf %sub3A_129, %slice3A_103 : vector<1x8960xf32>
    %log3A = math.log %div3A_130 : vector<1x8960xf32>
    %div3A_131 = arith.divf %log3A, %slice3A_110 : vector<1x8960xf32>
    %sub3A_132 = arith.subf %broadcast_in_dim3A_97, %broadcast_in_dim3A_79 : vector<1x8960xf32>
    %div3A_133 = arith.divf %sub3A_132, %slice3A_104 : vector<1x8960xf32>
    %log3A_134 = math.log %div3A_133 : vector<1x8960xf32>
    %div3A_135 = arith.divf %log3A_134, %slice3A_111 : vector<1x8960xf32>
    %broadcast_in_dim3A_136 = arith.constant 0.000000e+00 : f32
    %broadcast_in_dim3A_137 = vector.broadcast %broadcast_in_dim3A_136 : f32 to vector<1x8960xf32>
    %slice3A_138 = vector.extract_strided_slice %get3A_116 {offsets = [0, 0], sizes = [1, 8960], strides = [1, 1]} : vector<4x8960xf32> to vector<1x8960xf32>
    %sub3A_139 = arith.subf %slice3A_138, %div3A : vector<1x8960xf32>
    %abs3A = math.absf %sub3A_139 : vector<1x8960xf32>
    %lt3A_140 = arith.constant 1.000000e+00 : f32
    %lt3A_141 = vector.broadcast %lt3A_140 : f32 to vector<1x8960xf32>
    %lt3A_142 = arith.cmpf olt, %abs3A, %lt3A_141 : vector<1x8960xf32>
    %mul3A_143 = arith.constant 5.000000e-01 : f32
    %mul3A_144 = vector.broadcast %mul3A_143 : f32 to vector<1x8960xf32>
    %mul3A_145 = arith.mulf %mul3A_144, %sub3A_139 : vector<1x8960xf32>
    %mul3A_146 = arith.mulf %mul3A_145, %sub3A_139 : vector<1x8960xf32>
    %sub3A_147 = arith.constant 5.000000e-01 : f32
    %sub3A_148 = vector.broadcast %sub3A_147 : f32 to vector<1x8960xf32>
    %sub3A_149 = arith.subf %abs3A, %sub3A_148 : vector<1x8960xf32>
    %select_n3A_150 = arith.select %lt3A_142, %mul3A_146, %sub3A_149 : vector<1x8960xi1>, vector<1x8960xf32>
    %add3A_151 = arith.addf %broadcast_in_dim3A_137, %select_n3A_150 : vector<1x8960xf32>
    %slice3A_152 = vector.extract_strided_slice %get3A_116 {offsets = [1, 0], sizes = [1, 8960], strides = [1, 1]} : vector<4x8960xf32> to vector<1x8960xf32>
    %sub3A_153 = arith.subf %slice3A_152, %div3A_128 : vector<1x8960xf32>
    %abs3A_154 = math.absf %sub3A_153 : vector<1x8960xf32>
    %lt3A_155 = arith.constant 1.000000e+00 : f32
    %lt3A_156 = vector.broadcast %lt3A_155 : f32 to vector<1x8960xf32>
    %lt3A_157 = arith.cmpf olt, %abs3A_154, %lt3A_156 : vector<1x8960xf32>
    %mul3A_158 = arith.constant 5.000000e-01 : f32
    %mul3A_159 = vector.broadcast %mul3A_158 : f32 to vector<1x8960xf32>
    %mul3A_160 = arith.mulf %mul3A_159, %sub3A_153 : vector<1x8960xf32>
    %mul3A_161 = arith.mulf %mul3A_160, %sub3A_153 : vector<1x8960xf32>
    %sub3A_162 = arith.constant 5.000000e-01 : f32
    %sub3A_163 = vector.broadcast %sub3A_162 : f32 to vector<1x8960xf32>
    %sub3A_164 = arith.subf %abs3A_154, %sub3A_163 : vector<1x8960xf32>
    %select_n3A_165 = arith.select %lt3A_157, %mul3A_161, %sub3A_164 : vector<1x8960xi1>, vector<1x8960xf32>
    %add3A_166 = arith.addf %add3A_151, %select_n3A_165 : vector<1x8960xf32>
    %slice3A_167 = vector.extract_strided_slice %get3A_116 {offsets = [2, 0], sizes = [1, 8960], strides = [1, 1]} : vector<4x8960xf32> to vector<1x8960xf32>
    %sub3A_168 = arith.subf %slice3A_167, %div3A_131 : vector<1x8960xf32>
    %abs3A_169 = math.absf %sub3A_168 : vector<1x8960xf32>
    %lt3A_170 = arith.constant 1.000000e+00 : f32
    %lt3A_171 = vector.broadcast %lt3A_170 : f32 to vector<1x8960xf32>
    %lt3A_172 = arith.cmpf olt, %abs3A_169, %lt3A_171 : vector<1x8960xf32>
    %mul3A_173 = arith.constant 5.000000e-01 : f32
    %mul3A_174 = vector.broadcast %mul3A_173 : f32 to vector<1x8960xf32>
    %mul3A_175 = arith.mulf %mul3A_174, %sub3A_168 : vector<1x8960xf32>
    %mul3A_176 = arith.mulf %mul3A_175, %sub3A_168 : vector<1x8960xf32>
    %sub3A_177 = arith.constant 5.000000e-01 : f32
    %sub3A_178 = vector.broadcast %sub3A_177 : f32 to vector<1x8960xf32>
    %sub3A_179 = arith.subf %abs3A_169, %sub3A_178 : vector<1x8960xf32>
    %select_n3A_180 = arith.select %lt3A_172, %mul3A_176, %sub3A_179 : vector<1x8960xi1>, vector<1x8960xf32>
    %add3A_181 = arith.addf %add3A_166, %select_n3A_180 : vector<1x8960xf32>
    %slice3A_182 = vector.extract_strided_slice %get3A_116 {offsets = [3, 0], sizes = [1, 8960], strides = [1, 1]} : vector<4x8960xf32> to vector<1x8960xf32>
    %sub3A_183 = arith.subf %slice3A_182, %div3A_135 : vector<1x8960xf32>
    %abs3A_184 = math.absf %sub3A_183 : vector<1x8960xf32>
    %lt3A_185 = arith.constant 1.000000e+00 : f32
    %lt3A_186 = vector.broadcast %lt3A_185 : f32 to vector<1x8960xf32>
    %lt3A_187 = arith.cmpf olt, %abs3A_184, %lt3A_186 : vector<1x8960xf32>
    %mul3A_188 = arith.constant 5.000000e-01 : f32
    %mul3A_189 = vector.broadcast %mul3A_188 : f32 to vector<1x8960xf32>
    %mul3A_190 = arith.mulf %mul3A_189, %sub3A_183 : vector<1x8960xf32>
    %mul3A_191 = arith.mulf %mul3A_190, %sub3A_183 : vector<1x8960xf32>
    %sub3A_192 = arith.constant 5.000000e-01 : f32
    %sub3A_193 = vector.broadcast %sub3A_192 : f32 to vector<1x8960xf32>
    %sub3A_194 = arith.subf %abs3A_184, %sub3A_193 : vector<1x8960xf32>
    %select_n3A_195 = arith.select %lt3A_187, %mul3A_191, %sub3A_194 : vector<1x8960xi1>, vector<1x8960xf32>
    %add3A_196 = arith.addf %add3A_181, %select_n3A_195 : vector<1x8960xf32>
    %jit3A_197 = arith.constant 0.000000e+00 : f32
    %broadcast_in_dim3A_198 = vector.broadcast %jit3A_197 : f32 to vector<1x8960xf32>
    %select_n3A_199 = arith.select %gt3A_61, %add3A_196, %broadcast_in_dim3A_198 : vector<1x8960xi1>, vector<1x8960xf32>
    %reduce_sum3A_200 = vector.shape_cast %select_n3A_199 : vector<1x8960xf32> to vector<1x1x8960xf32>
    %reduce_sum3A_201 = arith.constant dense<0.000000e+00> : vector<1xf32>
    %reduce_sum3A_202 = vector.multi_reduction <add>, %reduce_sum3A_200, %reduce_sum3A_201 [1, 2] : vector<1x1x8960xf32> to vector<1xf32>
    %reduce_sum3A_203 = vector.shape_cast %reduce_sum3A_202 : vector<1xf32> to vector<1x1x1xf32>
    %reduce_sum3A_204 = vector.extract %reduce_sum3A_203[0, 0, 0] : f32 from vector<1x1x1xf32>
    %reshape3A = vector.broadcast %reduce_sum3A_204 : f32 to vector<1x1xf32>
    %jit3A_205 = arith.constant 1 : i32
    %jit3A_206 = arith.constant 0 : i32
    %broadcast_in_dim3A_207 = vector.broadcast %jit3A_205 : i32 to vector<1x8960xi32>
    %broadcast_in_dim3A_208 = vector.broadcast %jit3A_206 : i32 to vector<1x8960xi32>
    %select_n3A_209 = arith.select %gt3A_61, %broadcast_in_dim3A_207, %broadcast_in_dim3A_208 : vector<1x8960xi1>, vector<1x8960xi32>
    %reduce_sum3A_210 = vector.shape_cast %select_n3A_209 : vector<1x8960xi32> to vector<1x1x8960xi32>
    %reduce_sum3A_211 = arith.constant dense<0> : vector<1xi32>
    %reduce_sum3A_212 = vector.multi_reduction <add>, %reduce_sum3A_210, %reduce_sum3A_211 [1, 2] : vector<1x1x8960xi32> to vector<1xi32>
    %reduce_sum3A_213 = vector.shape_cast %reduce_sum3A_212 : vector<1xi32> to vector<1x1x1xi32>
    %reduce_sum3A_214 = vector.extract %reduce_sum3A_213[0, 0, 0] : i32 from vector<1x1x1xi32>
    %reshape3A_215 = vector.broadcast %reduce_sum3A_214 : i32 to vector<1x1xi32>
    %eq3A_216 = arith.constant 0 : i32
    %eq3A_217 = arith.cmpi eq, %arg1, %eq3A_216 : i32
    %convert_element_type3A = arith.extui %eq3A_217 : i1 to i32
    %cond3A = arith.constant 0 : i32
    %cond3A_218 = arith.cmpi ne, %convert_element_type3A, %cond3A : i32
    scf.if %cond3A_218 {
      %swap3A_224 = arith.constant 0 : index
      %swap3A_225 = arith.constant 0 : index
      %swap3A_226 = arith.constant 0 : index
      %swap3A_227 = vector.load %arg10[%swap3A_224, %swap3A_225, %swap3A_226] : memref<1x1x1xi32, #tpu.memory_space<vmem>>, vector<1x1x1xi32>
      %swap3A_228 = vector.shape_cast %swap3A_227 : vector<1x1x1xi32> to vector<1x1xi32>
      %swap3A_229 = vector.shape_cast %reshape3A_215 : vector<1x1xi32> to vector<1x1x1xi32>
      tpu.vector_store %arg10[%swap3A_224, %swap3A_225, %swap3A_226], %swap3A_229 {strides = array<i32>} : memref<1x1x1xi32, #tpu.memory_space<vmem>>, vector<1x1x1xi32>,
      %swap3A_230 = arith.constant 0 : index
      %swap3A_231 = arith.constant 0 : index
      %swap3A_232 = arith.constant 0 : index
      %swap3A_233 = vector.load %arg11[%swap3A_230, %swap3A_231, %swap3A_232] : memref<1x1x1xf32, #tpu.memory_space<vmem>>, vector<1x1x1xf32>
      %swap3A_234 = vector.shape_cast %swap3A_233 : vector<1x1x1xf32> to vector<1x1xf32>
      %swap3A_235 = vector.shape_cast %reshape3A : vector<1x1xf32> to vector<1x1x1xf32>
      tpu.vector_store %arg11[%swap3A_230, %swap3A_231, %swap3A_232], %swap3A_235 {strides = array<i32>} : memref<1x1x1xf32, #tpu.memory_space<vmem>>, vector<1x1x1xf32>,
    } else {
    }
    %gt3A_219 = arith.constant 0 : i32
    %gt3A_220 = arith.cmpi sgt, %arg1, %gt3A_219 : i32
    %convert_element_type3A_221 = arith.extui %gt3A_220 : i1 to i32
    %cond3A_222 = arith.constant 0 : i32
    %cond3A_223 = arith.cmpi ne, %convert_element_type3A_221, %cond3A_222 : i32
    scf.if %cond3A_223 {
      %get3A_224 = arith.constant 0 : index
      %get3A_225 = arith.constant 0 : index
      %get3A_226 = arith.constant 0 : index
      %get3A_227 = vector.load %arg10[%get3A_224, %get3A_225, %get3A_226] : memref<1x1x1xi32, #tpu.memory_space<vmem>>, vector<1x1x1xi32>
      %get3A_228 = vector.shape_cast %get3A_227 : vector<1x1x1xi32> to vector<1x1xi32>
      %add3A_229 = arith.addi %get3A_228, %reshape3A_215 : vector<1x1xi32>
      %swap3A_230 = arith.constant 0 : index
      %swap3A_231 = arith.constant 0 : index
      %swap3A_232 = arith.constant 0 : index
      %swap3A_233 = vector.load %arg10[%swap3A_230, %swap3A_231, %swap3A_232] : memref<1x1x1xi32, #tpu.memory_space<vmem>>, vector<1x1x1xi32>
      %swap3A_234 = vector.shape_cast %swap3A_233 : vector<1x1x1xi32> to vector<1x1xi32>
      %swap3A_235 = vector.shape_cast %add3A_229 : vector<1x1xi32> to vector<1x1x1xi32>
      tpu.vector_store %arg10[%swap3A_230, %swap3A_231, %swap3A_232], %swap3A_235 {strides = array<i32>} : memref<1x1x1xi32, #tpu.memory_space<vmem>>, vector<1x1x1xi32>,
      %get3A_236 = arith.constant 0 : index
      %get3A_237 = arith.constant 0 : index
      %get3A_238 = arith.constant 0 : index
      %get3A_239 = vector.load %arg11[%get3A_236, %get3A_237, %get3A_238] : memref<1x1x1xf32, #tpu.memory_space<vmem>>, vector<1x1x1xf32>
      %get3A_240 = vector.shape_cast %get3A_239 : vector<1x1x1xf32> to vector<1x1xf32>
      %add3A_241 = arith.addf %get3A_240, %reshape3A : vector<1x1xf32>
      %swap3A_242 = arith.constant 0 : index
      %swap3A_243 = arith.constant 0 : index
      %swap3A_244 = arith.constant 0 : index
      %swap3A_245 = vector.load %arg11[%swap3A_242, %swap3A_243, %swap3A_244] : memref<1x1x1xf32, #tpu.memory_space<vmem>>, vector<1x1x1xf32>
      %swap3A_246 = vector.shape_cast %swap3A_245 : vector<1x1x1xf32> to vector<1x1xf32>
      %swap3A_247 = vector.shape_cast %add3A_241 : vector<1x1xf32> to vector<1x1x1xf32>
      tpu.vector_store %arg11[%swap3A_242, %swap3A_243, %swap3A_244], %swap3A_247 {strides = array<i32>} : memref<1x1x1xf32, #tpu.memory_space<vmem>>, vector<1x1x1xf32>,
    } else {
    }
    return
  }
  func.func @transform_0(%arg0: i32, %arg1: i32) -> (i32, i32, i32) {
    %c0_i32 = arith.constant 0 : i32
    %c0_i32_0 = arith.constant 0 : i32
    %c0_i32_1 = arith.constant 0 : i32
    return %arg0, %c0_i32, %c0_i32_0 : i32, i32, i32
  }
  func.func @transform_1(%arg0: i32, %arg1: i32) -> (i32, i32) {
    %c0_i32 = arith.constant 0 : i32
    %c0_i32_0 = arith.constant 0 : i32
    return %c0_i32, %arg1 : i32, i32
  }
  func.func @transform_2(%arg0: i32, %arg1: i32) -> (i32, i32) {
    %c0_i32 = arith.constant 0 : i32
    %c0_i32_0 = arith.constant 0 : i32
    return %c0_i32, %arg1 : i32, i32
  }
  func.func @transform_3(%arg0: i32, %arg1: i32) -> (i32, i32, i32) {
    %c0_i32 = arith.constant 0 : i32
    %c0_i32_0 = arith.constant 0 : i32
    return %arg0, %c0_i32, %arg1 : i32, i32, i32
  }
  func.func @transform_4(%arg0: i32, %arg1: i32) -> (i32, i32, i32) {
    %c0_i32 = arith.constant 0 : i32
    %c0_i32_0 = arith.constant 0 : i32
    return %arg0, %c0_i32, %arg1 : i32, i32, i32
  }
  func.func @transform_5(%arg0: i32, %arg1: i32) -> (i32, i32, i32) {
    %c0_i32 = arith.constant 0 : i32
    %c0_i32_0 = arith.constant 0 : i32
    return %arg0, %c0_i32, %arg1 : i32, i32, i32
  }
  func.func @transform_6(%arg0: i32, %arg1: i32) -> (i32, i32, i32) {
    %c0_i32 = arith.constant 0 : i32
    %c0_i32_0 = arith.constant 0 : i32
    %c0_i32_1 = arith.constant 0 : i32
    return %arg0, %c0_i32, %c0_i32_0 : i32, i32, i32
  }
  func.func @transform_7(%arg0: i32, %arg1: i32) -> (i32, i32, i32) {
    %c0_i32 = arith.constant 0 : i32
    %c0_i32_0 = arith.constant 0 : i32
    return %arg0, %c0_i32, %arg1 : i32, i32, i32
  }
  func.func @transform_8(%arg0: i32, %arg1: i32) -> (i32, i32, i32) {
    %c0_i32 = arith.constant 0 : i32
    %c0_i32_0 = arith.constant 0 : i32
    %c0_i32_1 = arith.constant 0 : i32
    return %arg0, %c0_i32, %c0_i32_0 : i32, i32, i32
  }
  func.func @transform_9(%arg0: i32, %arg1: i32) -> (i32, i32, i32) {
    %c0_i32 = arith.constant 0 : i32
    %c0_i32_0 = arith.constant 0 : i32
    %c0_i32_1 = arith.constant 0 : i32
    return %arg0, %c0_i32, %c0_i32_0 : i32, i32, i32
  }
}

module attributes {stable_mosaic.version = 14 : i64} {
  func.func @_conf_body(%arg0: i32, %arg1: memref<1x4480x81xf32, #tpu.memory_space<vmem>>, %arg2: memref<1x4480x81xf32, #tpu.memory_space<vmem>>, %arg3: memref<1x8960x1xf32, #tpu.memory_space<vmem>>, %arg4: memref<1x4480x1xf32, #tpu.memory_space<vmem>>, %arg5: memref<1x4480x1xf32, #tpu.memory_space<vmem>>, %arg6: memref<1x1x1xf32, #tpu.memory_space<vmem>>) attributes {dimension_semantics = [#tpu.dimension_semantics<arbitrary>], iteration_bounds = array<i64: 32>, scalar_prefetch = 0 : i64, scratch_operands = 0 : i64, tpu.core_type = #tpu.core_type<tc>, window_params = [{transform_indices = @transform_0, window_bounds = array<i64: 1, 4480, 81>}, {transform_indices = @transform_1, window_bounds = array<i64: 1, 4480, 81>}, {transform_indices = @transform_2, window_bounds = array<i64: 1, 8960, 1>}, {transform_indices = @transform_3, window_bounds = array<i64: 1, 4480, 1>}, {transform_indices = @transform_4, window_bounds = array<i64: 1, 4480, 1>}, {transform_indices = @transform_5, window_bounds = array<i64: 1, 1, 1>}]} {
    %get3A = arith.constant 0 : index
    %get3A_0 = arith.constant 0 : index
    %get3A_1 = arith.constant 0 : index
    %get3A_2 = vector.load %arg3[%get3A, %get3A_0, %get3A_1] : memref<1x8960x1xf32, #tpu.memory_space<vmem>>, vector<1x8960x1xf32>
    %get3A_3 = vector.shape_cast %get3A_2 : vector<1x8960x1xf32> to vector<8960x1xf32>
    %get3A_4 = arith.constant 0 : index
    %get3A_5 = arith.constant 0 : index
    %get3A_6 = arith.constant 0 : index
    %get3A_7 = vector.load %arg1[%get3A_4, %get3A_5, %get3A_6] : memref<1x4480x81xf32, #tpu.memory_space<vmem>>, vector<1x4480x81xf32>
    %get3A_8 = vector.shape_cast %get3A_7 : vector<1x4480x81xf32> to vector<4480x81xf32>
    %slice3A = vector.extract_strided_slice %get3A_3 {offsets = [0, 0], sizes = [4480, 1], strides = [1, 1]} : vector<8960x1xf32> to vector<4480x1xf32>
    %exp3A = math.exp %get3A_8 : vector<4480x81xf32>
    %broadcast_in_dim3A = arith.constant 1.000000e+00 : f32
    %broadcast_in_dim3A_9 = vector.broadcast %broadcast_in_dim3A : f32 to vector<81x1xf32>
    %dot_general3A = arith.constant dense<0.000000e+00> : vector<4480x1xf32>
    %dot_general3A_10 = tpu.matmul %exp3A, %broadcast_in_dim3A_9, %dot_general3A {dimension_numbers = #tpu.dot_dimension_numbers<[1], [0], [0], [1], [0, 0, 1, 1], [], []>, transpose_lhs_hint = false} : vector<4480x81xf32>, vector<81x1xf32>, vector<4480x1xf32> -> vector<4480x1xf32>
    %log3A = math.log %dot_general3A_10 : vector<4480x1xf32>
    %iota3A = tpu.iota {dimensions = array<i32: 1>} : vector<4480x81xi32>
    %convert_element_type3A = arith.fptosi %slice3A : vector<4480x1xf32> to vector<4480x1xi32>
    %eq3A = vector.broadcast %convert_element_type3A : vector<4480x1xi32> to vector<4480x81xi32>
    %eq3A_11 = arith.cmpi eq, %iota3A, %eq3A : vector<4480x81xi32>
    %jit3A = arith.constant 0.000000e+00 : f32
    %broadcast_in_dim3A_12 = vector.broadcast %jit3A : f32 to vector<4480x81xf32>
    %select_n3A = arith.select %eq3A_11, %get3A_8, %broadcast_in_dim3A_12 : vector<4480x81xi1>, vector<4480x81xf32>
    %dot_general3A_13 = arith.constant dense<0.000000e+00> : vector<4480x1xf32>
    %dot_general3A_14 = tpu.matmul %select_n3A, %broadcast_in_dim3A_9, %dot_general3A_13 {dimension_numbers = #tpu.dot_dimension_numbers<[1], [0], [0], [1], [0, 0, 1, 1], [], []>, transpose_lhs_hint = false} : vector<4480x81xf32>, vector<81x1xf32>, vector<4480x1xf32> -> vector<4480x1xf32>
    %iota3A_15 = tpu.iota {dimensions = array<i32: 0>} : vector<4480x1xi32>
    %add3A = arith.constant 0 : i32
    %add3A_16 = vector.broadcast %add3A : i32 to vector<4480x1xi32>
    %add3A_17 = arith.addi %add3A_16, %iota3A_15 : vector<4480x1xi32>
    %lt3A = arith.constant 8732 : i32
    %lt3A_18 = vector.broadcast %lt3A : i32 to vector<4480x1xi32>
    %lt3A_19 = arith.cmpi slt, %add3A_17, %lt3A_18 : vector<4480x1xi32>
    %gt3A = arith.constant 0.000000e+00 : f32
    %gt3A_20 = vector.broadcast %gt3A : f32 to vector<4480x1xf32>
    %gt3A_21 = arith.cmpf ogt, %slice3A, %gt3A_20 : vector<4480x1xf32>
    %sub3A = arith.subf %log3A, %dot_general3A_14 : vector<4480x1xf32>
    %jit3A_22 = arith.constant 0.000000e+00 : f32
    %broadcast_in_dim3A_23 = vector.broadcast %jit3A_22 : f32 to vector<4480x1xf32>
    %select_n3A_24 = arith.select %gt3A_21, %broadcast_in_dim3A_23, %sub3A : vector<4480x1xi1>, vector<4480x1xf32>
    %jit3A_25 = arith.constant -1.000000e+00 : f32
    %broadcast_in_dim3A_26 = vector.broadcast %jit3A_25 : f32 to vector<4480x1xf32>
    %select_n3A_27 = arith.select %lt3A_19, %select_n3A_24, %broadcast_in_dim3A_26 : vector<4480x1xi1>, vector<4480x1xf32>
    %and3A = arith.andi %gt3A_21, %lt3A_19 : vector<4480x1xi1>
    %jit3A_28 = arith.constant 0.000000e+00 : f32
    %broadcast_in_dim3A_29 = vector.broadcast %jit3A_28 : f32 to vector<4480x1xf32>
    %select_n3A_30 = arith.select %and3A, %sub3A, %broadcast_in_dim3A_29 : vector<4480x1xi1>, vector<4480x1xf32>
    %reduce_sum3A = vector.shape_cast %select_n3A_30 : vector<4480x1xf32> to vector<1x4480x1xf32>
    %reduce_sum3A_31 = arith.constant dense<0.000000e+00> : vector<1xf32>
    %reduce_sum3A_32 = vector.multi_reduction <add>, %reduce_sum3A, %reduce_sum3A_31 [1, 2] : vector<1x4480x1xf32> to vector<1xf32>
    %reduce_sum3A_33 = vector.shape_cast %reduce_sum3A_32 : vector<1xf32> to vector<1x1x1xf32>
    %reduce_sum3A_34 = vector.extract %reduce_sum3A_33[0, 0, 0] : f32 from vector<1x1x1xf32>
    %get3A_35 = arith.constant 0 : index
    %get3A_36 = arith.constant 0 : index
    %get3A_37 = arith.constant 0 : index
    %get3A_38 = vector.load %arg2[%get3A_35, %get3A_36, %get3A_37] : memref<1x4480x81xf32, #tpu.memory_space<vmem>>, vector<1x4480x81xf32>
    %get3A_39 = vector.shape_cast %get3A_38 : vector<1x4480x81xf32> to vector<4480x81xf32>
    %slice3A_40 = vector.extract_strided_slice %get3A_3 {offsets = [4480, 0], sizes = [4480, 1], strides = [1, 1]} : vector<8960x1xf32> to vector<4480x1xf32>
    %exp3A_41 = math.exp %get3A_39 : vector<4480x81xf32>
    %broadcast_in_dim3A_42 = arith.constant 1.000000e+00 : f32
    %broadcast_in_dim3A_43 = vector.broadcast %broadcast_in_dim3A_42 : f32 to vector<81x1xf32>
    %dot_general3A_44 = arith.constant dense<0.000000e+00> : vector<4480x1xf32>
    %dot_general3A_45 = tpu.matmul %exp3A_41, %broadcast_in_dim3A_43, %dot_general3A_44 {dimension_numbers = #tpu.dot_dimension_numbers<[1], [0], [0], [1], [0, 0, 1, 1], [], []>, transpose_lhs_hint = false} : vector<4480x81xf32>, vector<81x1xf32>, vector<4480x1xf32> -> vector<4480x1xf32>
    %log3A_46 = math.log %dot_general3A_45 : vector<4480x1xf32>
    %iota3A_47 = tpu.iota {dimensions = array<i32: 1>} : vector<4480x81xi32>
    %convert_element_type3A_48 = arith.fptosi %slice3A_40 : vector<4480x1xf32> to vector<4480x1xi32>
    %eq3A_49 = vector.broadcast %convert_element_type3A_48 : vector<4480x1xi32> to vector<4480x81xi32>
    %eq3A_50 = arith.cmpi eq, %iota3A_47, %eq3A_49 : vector<4480x81xi32>
    %jit3A_51 = arith.constant 0.000000e+00 : f32
    %broadcast_in_dim3A_52 = vector.broadcast %jit3A_51 : f32 to vector<4480x81xf32>
    %select_n3A_53 = arith.select %eq3A_50, %get3A_39, %broadcast_in_dim3A_52 : vector<4480x81xi1>, vector<4480x81xf32>
    %dot_general3A_54 = arith.constant dense<0.000000e+00> : vector<4480x1xf32>
    %dot_general3A_55 = tpu.matmul %select_n3A_53, %broadcast_in_dim3A_43, %dot_general3A_54 {dimension_numbers = #tpu.dot_dimension_numbers<[1], [0], [0], [1], [0, 0, 1, 1], [], []>, transpose_lhs_hint = false} : vector<4480x81xf32>, vector<81x1xf32>, vector<4480x1xf32> -> vector<4480x1xf32>
    %iota3A_56 = tpu.iota {dimensions = array<i32: 0>} : vector<4480x1xi32>
    %add3A_57 = arith.constant 4480 : i32
    %add3A_58 = vector.broadcast %add3A_57 : i32 to vector<4480x1xi32>
    %add3A_59 = arith.addi %add3A_58, %iota3A_56 : vector<4480x1xi32>
    %lt3A_60 = arith.constant 8732 : i32
    %lt3A_61 = vector.broadcast %lt3A_60 : i32 to vector<4480x1xi32>
    %lt3A_62 = arith.cmpi slt, %add3A_59, %lt3A_61 : vector<4480x1xi32>
    %gt3A_63 = arith.constant 0.000000e+00 : f32
    %gt3A_64 = vector.broadcast %gt3A_63 : f32 to vector<4480x1xf32>
    %gt3A_65 = arith.cmpf ogt, %slice3A_40, %gt3A_64 : vector<4480x1xf32>
    %sub3A_66 = arith.subf %log3A_46, %dot_general3A_55 : vector<4480x1xf32>
    %jit3A_67 = arith.constant 0.000000e+00 : f32
    %broadcast_in_dim3A_68 = vector.broadcast %jit3A_67 : f32 to vector<4480x1xf32>
    %select_n3A_69 = arith.select %gt3A_65, %broadcast_in_dim3A_68, %sub3A_66 : vector<4480x1xi1>, vector<4480x1xf32>
    %jit3A_70 = arith.constant -1.000000e+00 : f32
    %broadcast_in_dim3A_71 = vector.broadcast %jit3A_70 : f32 to vector<4480x1xf32>
    %select_n3A_72 = arith.select %lt3A_62, %select_n3A_69, %broadcast_in_dim3A_71 : vector<4480x1xi1>, vector<4480x1xf32>
    %and3A_73 = arith.andi %gt3A_65, %lt3A_62 : vector<4480x1xi1>
    %jit3A_74 = arith.constant 0.000000e+00 : f32
    %broadcast_in_dim3A_75 = vector.broadcast %jit3A_74 : f32 to vector<4480x1xf32>
    %select_n3A_76 = arith.select %and3A_73, %sub3A_66, %broadcast_in_dim3A_75 : vector<4480x1xi1>, vector<4480x1xf32>
    %reduce_sum3A_77 = vector.shape_cast %select_n3A_76 : vector<4480x1xf32> to vector<1x4480x1xf32>
    %reduce_sum3A_78 = arith.constant dense<0.000000e+00> : vector<1xf32>
    %reduce_sum3A_79 = vector.multi_reduction <add>, %reduce_sum3A_77, %reduce_sum3A_78 [1, 2] : vector<1x4480x1xf32> to vector<1xf32>
    %reduce_sum3A_80 = vector.shape_cast %reduce_sum3A_79 : vector<1xf32> to vector<1x1x1xf32>
    %reduce_sum3A_81 = vector.extract %reduce_sum3A_80[0, 0, 0] : f32 from vector<1x1x1xf32>
    %swap3A = arith.constant 0 : index
    %swap3A_82 = arith.constant 0 : index
    %swap3A_83 = arith.constant 0 : index
    %swap3A_84 = vector.load %arg4[%swap3A, %swap3A_82, %swap3A_83] : memref<1x4480x1xf32, #tpu.memory_space<vmem>>, vector<1x4480x1xf32>
    %swap3A_85 = vector.shape_cast %swap3A_84 : vector<1x4480x1xf32> to vector<4480x1xf32>
    %swap3A_86 = vector.shape_cast %select_n3A_27 : vector<4480x1xf32> to vector<1x4480x1xf32>
    tpu.vector_store %arg4[%swap3A, %swap3A_82, %swap3A_83], %swap3A_86 {strides = array<i32>} : memref<1x4480x1xf32, #tpu.memory_space<vmem>>, vector<1x4480x1xf32>,
    %swap3A_87 = arith.constant 0 : index
    %swap3A_88 = arith.constant 0 : index
    %swap3A_89 = arith.constant 0 : index
    %swap3A_90 = vector.load %arg5[%swap3A_87, %swap3A_88, %swap3A_89] : memref<1x4480x1xf32, #tpu.memory_space<vmem>>, vector<1x4480x1xf32>
    %swap3A_91 = vector.shape_cast %swap3A_90 : vector<1x4480x1xf32> to vector<4480x1xf32>
    %swap3A_92 = vector.shape_cast %select_n3A_72 : vector<4480x1xf32> to vector<1x4480x1xf32>
    tpu.vector_store %arg5[%swap3A_87, %swap3A_88, %swap3A_89], %swap3A_92 {strides = array<i32>} : memref<1x4480x1xf32, #tpu.memory_space<vmem>>, vector<1x4480x1xf32>,
    %add3A_93 = arith.addf %reduce_sum3A_34, %reduce_sum3A_81 : f32
    %reshape3A = vector.broadcast %add3A_93 : f32 to vector<1x1xf32>
    %swap3A_94 = arith.constant 0 : index
    %swap3A_95 = arith.constant 0 : index
    %swap3A_96 = arith.constant 0 : index
    %swap3A_97 = vector.load %arg6[%swap3A_94, %swap3A_95, %swap3A_96] : memref<1x1x1xf32, #tpu.memory_space<vmem>>, vector<1x1x1xf32>
    %swap3A_98 = vector.shape_cast %swap3A_97 : vector<1x1x1xf32> to vector<1x1xf32>
    %swap3A_99 = vector.shape_cast %reshape3A : vector<1x1xf32> to vector<1x1x1xf32>
    tpu.vector_store %arg6[%swap3A_94, %swap3A_95, %swap3A_96], %swap3A_99 {strides = array<i32>} : memref<1x1x1xf32, #tpu.memory_space<vmem>>, vector<1x1x1xf32>,
    return
  }
  func.func @transform_0(%arg0: i32) -> (i32, i32, i32) {
    %c0_i32 = arith.constant 0 : i32
    %c0_i32_0 = arith.constant 0 : i32
    %c0_i32_1 = arith.constant 0 : i32
    return %arg0, %c0_i32, %c0_i32_0 : i32, i32, i32
  }
  func.func @transform_1(%arg0: i32) -> (i32, i32, i32) {
    %c1_i32 = arith.constant 1 : i32
    %c0_i32 = arith.constant 0 : i32
    %c0_i32_0 = arith.constant 0 : i32
    return %arg0, %c1_i32, %c0_i32 : i32, i32, i32
  }
  func.func @transform_2(%arg0: i32) -> (i32, i32, i32) {
    %c0_i32 = arith.constant 0 : i32
    %c0_i32_0 = arith.constant 0 : i32
    %c0_i32_1 = arith.constant 0 : i32
    return %arg0, %c0_i32, %c0_i32_0 : i32, i32, i32
  }
  func.func @transform_3(%arg0: i32) -> (i32, i32, i32) {
    %c0_i32 = arith.constant 0 : i32
    %c0_i32_0 = arith.constant 0 : i32
    %c0_i32_1 = arith.constant 0 : i32
    return %arg0, %c0_i32, %c0_i32_0 : i32, i32, i32
  }
  func.func @transform_4(%arg0: i32) -> (i32, i32, i32) {
    %c0_i32 = arith.constant 0 : i32
    %c0_i32_0 = arith.constant 0 : i32
    %c0_i32_1 = arith.constant 0 : i32
    return %arg0, %c0_i32, %c0_i32_0 : i32, i32, i32
  }
  func.func @transform_5(%arg0: i32) -> (i32, i32, i32) {
    %c0_i32 = arith.constant 0 : i32
    %c0_i32_0 = arith.constant 0 : i32
    %c0_i32_1 = arith.constant 0 : i32
    return %arg0, %c0_i32, %c0_i32_0 : i32, i32, i32
  }
}

</mosaic_0001>

<sc_bundles>
// kernel: kernel.6.cloned.1.call-start
scs
__scs_entry_jumppad:
0x0: {  	(pc) =	sbr.rel $0x88, $3  }
0x1: {  	(tag) =	ssettag $0x0;
	lr =	simm.s32 $0x1  }
0x2: {  	[smem:$0x3F9D] =	sst lr;
	_ =	strace $0xD0000000  }
0x3: {  	_ = 	snop  }
0x4: {  	_ = 	snop  }
0x5: {  	_ = 	snop  }
0x6: {  	_ = 	snop  }
0x7: {  	_ = 	snop  }
__scs_overlays_trampoline_lowered:
0x8: {  	[smem:$0x3FAC] =	sst s0  }
0x9: {  	[smem:$0x3FAD] =	sst s1  }
0xa: {  	[smem:$0x3FAE] =	sst s2  }
0xb: {  	[smem:$0x3FAF] =	sst s3  }
0xc: {  	[smem:$0x3FB0] =	sst s4  }
0xd: {  	[smem:$0x3FB1] =	sst s5  }
0xe: {  	[smem:$0x3FB2] =	sst s6  }
0xf: {  	[smem:$0x3FB3] =	sst s7  }
0x10: {  	[smem:$0x3FB4] =	sst s8  }
0x11: {  	[smem:$0x3FB5] =	sst s9;
	s0 =	simm.s32 @!p0 $0x0  }
0x12: {  	s1 =	sld [smem:$0x3F9B];
	s0 =	simm.s32 @p0 $0x1  }
0x13: {  	[smem:$0x3FB6] =	sst s0;
	s0 =	simm.s32 @!p1 $0x0  }
0x14: {  	s2 =	sld [smem:$0x3F9A];
	s0 =	simm.s32 @p1 $0x1  }
0x15: {  	[smem:$0x3FB7] =	sst s0;
	s0 =	simm.s32 @!p2 $0x0  }
0x16: {  	s3 =	sld [smem:$0x3FDB];
	s0 =	simm.s32 @p2 $0x1  }
0x17: {  	s4 =	simm.s32 $0x1BF5;
	[smem:$0x3FB9] =	sst s0  }
0x18: {  	s0 =	sld [smem:$0x3F9C];
	_ =	swait.ge [sflag:s4], $0x0  }
0x19: {  	s7 =	sld [smem:$0x3F9D]  }
0x1a: {  	s8 =	sadd.s32 $0xFFFFE003, lr  }
0x1b: {  	s9 =	sadd.s32 $0xFFFFFEF7, lr;
	s5 =	simm.s32 $0xFFFFFFFF;
	p2 =	slt.u32 s8, $0xFFFFF086  }
0x1c: {  	p1 =	slt.u32 s9, $0xF7A;
	s5 =	simm.s32 @!p2 $0x0  }
0x1d: {  	s5 =	simm.s32 @p1 $0x1;
	p0 =	seq.s32 s7, s2  }
0x1e: {  	s7 =	smul.u32 @!p0 $0xF7A, s2;
	p2 =	seq.s32 @!p0 s5, $0x0  }
0x1f: {  	s9 =	smul.u32 $0xF7A, s1;
	s8 =	simm.s32 @!p0 $0x1BF5;
	p2 =	por !p2, p0  }
0x20: {  	[sflag:s8] =	ssyncset.s32 @!p0 $0xFFFFF086;
	s6 =	sadd.s32 @!p0 s3, s7;
	s7 =	simm.s32 @!p0 $0x108  }
0x21: {  	s3 =	sadd.s32 s3, s9;
	s6 =	sadd.s32 @!p0 $0x88, s6;
	s7 =	simm.s32 @p2 $0x1082  }
0x22: {  	[simem:s7], [sflag:s8] =	dma.local @!p0 [hbm:s6], $0xF7A  }
0x23: {  	s9 =	sor.u32 $0xD0000000, s2;
	s6 =	simm.s32 $0x108;
	_ =	swait.ge @!p0 [sflag:s8], $0x0  }
0x24: {  	s3 =	sadd.s32 $0x88, s3;
	s6 =	simm.s32 @!p1 $0x1082;
	[sflag:s4] =	ssyncset.s32 $0xFFFFF086  }
0x25: {  	[simem:s6], [sflag:s4] =	dma.local [hbm:s3], $0xF7A  }
0x26: {  	[smem:$0x3F9D] =	sst s1;
	(tag) =	ssettag s2;
	_ =	strace s9  }
0x27: {  	s1 =	sld [smem:$0x3FAD]  }
0x28: {  	s2 =	sld [smem:$0x3FAE]  }
0x29: {  	s4 =	sld [smem:$0x3FB0]  }
0x2a: {  	p0 =	seq.s32 s5, $0x0;
	s5 =	sld [smem:$0x3FB1]  }
0x2b: {  	s6 =	sld [smem:$0x3FB2]  }
0x2c: {  	s7 =	sld [smem:$0x3FB3]  }
0x2d: {  	s3 =	simm.s32 $0x108;
	s8 =	sld [smem:$0x3FB4]  }
0x2e: {  	s3 =	simm.s32 @!p0 $0x1082;
	s9 =	sld [smem:$0x3FB5]  }
0x2f: {  	lr =	sadd.s32 s0, s3;
	s0 =	sld [smem:$0x3FAC]  }
0x30: {  	s3 =	sld [smem:$0x3FAF]  }
0x31: {  	[smem:$0x3FB8] =	sst s10  }
0x32: {  	s10 =	sld [smem:$0x3FB6];
	_ =	sdelay $0x3  }
0x33: {  	p0 =	seq.s32 s10, $0x1;
	s10 =	sld [smem:$0x3FB8];
	_ =	sdelay $0x3  }
0x34: {  	[smem:$0x3FB8] =	sst s10  }
0x35: {  	s10 =	sld [smem:$0x3FB7];
	_ =	sdelay $0x3  }
0x36: {  	p1 =	seq.s32 s10, $0x1;
	s10 =	sld [smem:$0x3FB8];
	_ =	sdelay $0x3  }
0x37: {  	[smem:$0x3FB8] =	sst s10  }
0x38: {  	s10 =	sld [smem:$0x3FB9]  }
0x39: {  	_ = 	snop;
	(pc) =	sbr.ind lr, $3  }
0x3a: {  	_ = 	snop  }
0x3b: {  	_ = 	snop  }
0x3c: {  	p2 =	seq.s32 s10, $0x1;
	s10 =	sld [smem:$0x3FB8]  }
0x3d: {  	_ =	shalt  }
0x3e: {  	_ =	shalt  }
0x3f: {  	_ =	shalt  }
0x40: {  	_ =	shalt  }
0x41: {  	_ =	shalt  }
0x42: {  	_ =	shalt  }
0x43: {  	_ =	shalt  }
0x44: {  	_ =	shalt  }
0x45: {  	_ =	shalt  }
0x46: {  	_ =	shalt  }
0x47: {  	_ =	shalt  }
0x48: {  	_ =	shalt  }
0x49: {  	_ =	shalt  }
0x4a: {  	_ =	shalt  }
0x4b: {  	_ =	shalt  }
0x4c: {  	_ =	shalt  }
0x4d: {  	_ =	shalt  }
0x4e: {  	_ =	shalt  }
0x4f: {  	_ =	shalt  }
0x50: {  	_ =	shalt  }
0x51: {  	_ =	shalt  }
0x52: {  	_ =	shalt  }
0x53: {  	_ =	shalt  }
0x54: {  	_ =	shalt  }
0x55: {  	_ =	shalt  }
0x56: {  	_ =	shalt  }
0x57: {  	_ =	shalt  }
0x58: {  	_ =	shalt  }
0x59: {  	_ =	shalt  }
0x5a: {  	_ =	shalt  }
0x5b: {  	_ =	shalt  }
0x5c: {  	_ =	shalt  }
0x5d: {  	_ =	shalt  }
0x5e: {  	_ =	shalt  }
0x5f: {  	_ =	shalt  }
0x60: {  	_ =	shalt  }
0x61: {  	_ =	shalt  }
0x62: {  	_ =	shalt  }
0x63: {  	_ =	shalt  }
0x64: {  	_ =	shalt  }
0x65: {  	_ =	shalt  }
0x66: {  	_ =	shalt  }
0x67: {  	_ =	shalt  }
0x68: {  	_ =	shalt  }
0x69: {  	_ =	shalt  }
0x6a: {  	_ =	shalt  }
0x6b: {  	_ =	shalt  }
0x6c: {  	_ =	shalt  }
0x6d: {  	_ =	shalt  }
0x6e: {  	_ =	shalt  }
0x6f: {  	_ =	shalt  }
0x70: {  	_ =	shalt  }
0x71: {  	_ =	shalt  }
0x72: {  	_ =	shalt  }
0x73: {  	_ =	shalt  }
0x74: {  	_ =	shalt  }
0x75: {  	_ =	shalt  }
0x76: {  	_ =	shalt  }
0x77: {  	_ =	shalt  }
0x78: {  	_ =	shalt  }
0x79: {  	_ =	shalt  }
0x7a: {  	_ =	shalt  }
0x7b: {  	_ =	shalt  }
0x7c: {  	_ =	shalt  }
0x7d: {  	_ =	shalt  }
0x7e: {  	_ =	shalt  }
0x7f: {  	_ =	shalt  }
0x80: {  	_ =	shalt  }
0x81: {  	_ =	shalt  }
0x82: {  	_ =	shalt  }
0x83: {  	_ =	shalt  }
0x84: {  	_ =	shalt  }
0x85: {  	_ =	shalt  }
0x86: {  	_ =	shalt  }
0x87: {  	_ =	shalt  }
.Lfunc_end0:
.L_simem_size_0:
called_computation_lowered:
.L_overlay_start_0:
0x88: {  	s2 =	sld [smem:$0x3FD9]  }
0x89: {  	s3 =	sld [smem:$0x3FFE];
	_ =	sdelay $0x1  }
0x8a: {  	s1 =	srdreg.scid  }
0x8b: {  	s0 =	sand.u32 $0x1, s1  }
0x8c: {  	s16 =	sshll.u32 s0, $0xA;
	s2 =	sadd.s32 s3, s2  }
0x8d: {  	s2 =	sadd.s32 s2, s16  }
0x8e: {  	[smem:$0x3FC4] =	sst s2  }
0x8f: {  	_ = 	snop  }
0x90: {  	(tm) =	ssettm $0x1  }
0x91: {  	s17 =	sld [smem:$0x3FFB];
	_ =	sdelay $0x3  }
0x92: {  	_ =	strace s17  }
0x93: {  	s2 =	sld [smem:$0x3FFC];
	_ =	sdelay $0x3  }
0x94: {  	_ =	strace s2  }
0x95: {  	s2 =	sld [smem:$0x3FFD];
	_ =	sdelay $0x3  }
0x96: {  	_ =	strace s2  }
0x97: {  	_ =	strace $0x8FFFFFFF  }
0x98: {  	s18 =	sld [smem:$0x3FDB];
	_ =	sdelay $0x1  }
0x99: {  	s19 =	simm.s32 $_scs_section_size  }
0x9a: {  	s4 =	simm.s32 $_size__tile_overlayer_lowered;
	s5 =	simm.s32 $_tile_overlayer_lowered  }
0x9b: {  	s22 =	simm.s32 $0x1BFF;
	s21 =	sshll.u32 s5, $0x1;
	s2 =	sadd.s32 s19, s18  }
0x9c: {  	s6 =	simm.s32 $0x0;
	s20 =	sshll.u32 s4, $0x1;
	s4 =	sadd.s32 s21, s2  }
0x9d: {  	[timem:s6], [sflag:s22] =	dma.local [hbm:s4], s20  }
0x9e: {  	_ =	swait.ge [sflag:s22], s20  }
0x9f: {  	s3 =	ssub.s32 $0x0, s20;
	[sflag:s22] =	ssyncset.done $0x0  }
0xa0: {  	[sflag:s22] =	ssyncadd.s32 s3;
	_ =	sdelay $0x1  }
0xa1: {  	s23 =	simm.s32 $0x1B8B  }
0xa2: {  	_ =	swait.ge [sflag:s23], $0x1  }
0xa3: {  	[sflag:s23] =	ssyncset.done $0x0  }
0xa4: {  	s25 =	simm.s32 $0x1B8E;
	s24 =	sld [smem:$0x3FFE];
	[sflag:s23] =	ssyncadd.s32 $0xFFFFFFFF  }
0xa5: {  	s26 =	simm.s32 $execute0_lowered;
	[smem:$0x3FD2] =	sst s25  }
0xa6: {  	s4 =	sshll.u32 s26, $0x1;
	_ =	strace $0x80000046;
	[dreg:$0x1] =	wrdreg $0xFFFFFFFF  }
0xa7: {  	s28 =	simm.s32 $_size_execute0_lowered;
	s2 =	sadd.s32 s2, s4;
	[dreg:$0x0] =	wrdreg $0x0  }
0xa8: {  	s4 =	sshll.u32 s28, $0x1;
	[dreg:$0x2] =	wrdreg s2  }
0xa9: {  	[dreg:$0x3] =	wrdreg s4  }
0xaa: {  	[dreg:$0x4] =	wrdreg $0xC0  }
0xab: {  	_ =	task [dreg:s6], $0x5FFFF  }
0xac: {  	[dreg:$0x1] =	wrdreg $0xFFFFFFFF  }
0xad: {  	[dreg:$0x0] =	wrdreg $0x60  }
0xae: {  	[dreg:$0x2] =	wrdreg s24  }
0xaf: {  	[dreg:$0x3] =	wrdreg $0x9  }
0xb0: {  	_ =	task.clear_ibuf [dreg:s6], $0x4FFFF;
	_ =	strace $0x90000046  }
0xb1: {  	s29 =	simm.s32 $0x9;
	_ =	strace $0x80000048  }
0xb2: {  	_ =	swait.ge [sflag:s29], $0x1  }
0xb3: {  	[sflag:s29] =	ssyncadd.s32 $0xFFFFFFFF  }
0xb4: {  	_ =	strace $0x90000048  }
0xb5: {  	_ =	sfence  }
0xb6: {  	s30 =	sld [smem:$0x0];
	_ =	sdelay $0x2  }
0xb7: {  	s31 =	sshll.u32 s1, $0xD;
	s1 =	sshrl.u32 s1, $0x2  }
0xb8: {  	s3 =	sand.u32 $0x4000, s31;
	s1 =	sadd.s32 s1, s30  }
0xb9: {  	s0 =	sor.u32 s3, s0;
	s1 =	sshll.u32 s1, $0x11  }
0xba: {  	s0 =	sor.u32 s1, s0  }
0xbb: {  	s0 =	sadd.s32 $0x8F2B, s0  }
0xbc: {  	[sflag:s0] =	ssyncadd.remote.s32 $0x1  }
0xbd: {  	_ =	sfence.sel $0xFFFF  }
0xbe: {  	[dreg:$0x0] =	wrdreg $0xFFFFFFFF;
	(pc) =	sbr.abs _section_cstart, $3  }
0xbf: {  	[dreg:$0x1] =	wrdreg $0xFFFFFFFF  }
0xc0: {  	_ =	task.clear_ibuf [dreg:s6], $0x2FFFF;
	_ =	strace $0x9FFFFFFF  }
0xc1: {  	(tm) =	ssettm $0x7FFFFFFF  }
tec
execute0_lowered:
.L_overlay_start_1:
0x0: {  	(tag) =	ssettag $0x1  }
0x1: {  	v0 =	vimm.s32 $0xEFCDAB89;
	s3 =	rddreg [dreg:$0x0];
	v1 =	vimm.s32 $0x67452301;
	v2 =	vimm.s32 $0xDCFE98BA  }
0x2: {  	s0 =	rddreg [dreg:$0x1];
	s2 =	simm.s32 $0x0;
	s4 =	srdreg.scid;
	v3 =	vimm.s32 $0x54761032;
	v4 =	vimm.s32 $0xBA98FEDC;
	v5 =	vimm.s32 $0x32107654  }
0x3: {  	s1 =	stileid.u32;
	v6 =	vimm.s32 $0xFEDCBA98;
	v7 =	vimm.s32 $0x76543210;
	s9 =	simm.s32 $0x1;
	s10 =	simm.s32 $0x2300  }
0x4: {  	s11 =	simm.s32 $0x2380;
	s12 =	simm.s32 $0x0;
	v0 =	vunpack.c.l.s4.s8 v0;
	v1 =	vunpack.c.l.s4.s8 v1;
	s4 =	sand.u32 $0x1, s4;
	v2 =	vunpack.c.l.s4.s8 v2  }
0x5: {  	s5 =	sshrl.u32 s1, $0x2;
	s6 =	sshll.u32 s1, $0x8;
	v3 =	vunpack.c.l.s4.s8 v3;
	[smem:$0x7FF] =	sst s2;
	v4 =	vunpack.c.l.s4.s8 v4;
	v5 =	vunpack.c.l.s4.s8 v5  }
0x6: {  	v6 =	vunpack.c.l.s4.s8 v6;
	v7 =	vunpack.c.l.s4.s8 v7;
	s7 =	smul.u32 $0x11800, s5;
	s8 =	sshll.u32 s4, $0x7;
	s6 =	sand.u32 $0x300, s6;
	v0 =	vunpack.c.0.s8.s32 v0  }
0x7: {  	_ =	strace $0x80000047;
	s5 =	sshll.u32 s5, $0xA;
	v1 =	vunpack.c.0.s8.s32 v1;
	s6 =	sor.u32 s8, s6;
	v2 =	vunpack.c.0.s8.s32 v2;
	v3 =	vunpack.c.0.s8.s32 v3  }
0x8: {  	s4 =	ssub.s32 $0x2, s4;
	v4 =	vunpack.c.0.s8.s32 v4;
	v5 =	vunpack.c.0.s8.s32 v5;
	v6 =	vunpack.c.0.s8.s32 v6;
	s7 =	sor.u32 s7, s6;
	s5 =	sor.u32 s5, s6  }
0x9: {  	s31 =	sshrl.u32 s4, $0x1;
	v7 =	vunpack.c.0.s8.s32 v7;
	s7 =	sshrl.u32 s7, $0x3;
	s5 =	sshrl.u32 s5, $0x3;
	v0 =	vcombine.low v1, v0  }
0xa: {  	s8 =	simm.s32 $0x400;
	v1 =	vcombine.low v3, v2;
	v2 =	vcombine.low v5, v4;
	v4 =	vand.u32 $0xF, v6;
	s30 =	sadd.s32 s7, s3;
	s5 =	sadd.s32 s5, s3  }
0xb: {  	v3 =	vimm.s32 $0x0;
	s7 =	ssub.s32 s4, s31;
	v4 =	vcombine.low v4, v7;
	s3 =	sadd.s32 $0x200, s30;
	s4 =	sadd.s32 $0x8E00, s5  }
0xc: {  	s5 =	sadd.s32 $0x9000, s5;
	s6 =	smax.u32 s7, $0x1;
	s7 =	simm.s32 $0x80;
	v5 =	vand.u32 $0xF, v0;
	v6 =	vand.u32 $0xF, v1;
	v7 =	vand.u32 $0xF, v2  }
.LBB2_1:
0xd: {  	[tilespmem:s2], [sflag:$0x1] =	stream.strided.gather [hbm4b:s3+s7], $0x2300, s8, s7, $0x38;
	[tilespmem:$0x2400] =	vst v63  }
0xe: {  	_ =	swait.ge [sflag:s9], $0x2300  }
0xf: {  	[sflag:s9] =	ssyncset.done $0x0  }
0x10: {  	[sflag:s9] =	ssyncadd.s32 $0xFFFFDD00  }
0x11: {  	[tilespmem:s10], [sflag:$0x1] =	stream.linear.gather [hbm4b:s4+s2], $0x80, $0x38;
	[tilespmem:$0x2400] =	vst v63  }
0x12: {  	_ =	swait.ge [sflag:s9], $0x80  }
0x13: {  	[sflag:s9] =	ssyncset.done $0x0  }
0x14: {  	[sflag:s9] =	ssyncadd.s32 $0xFFFFFF80  }
0x15: {  	v8 =	vld [tilespmem:$0x2300];
	_ =	sdelay $0x4  }
0x16: {  	v9 =	vmul.u32 $0x3, v8  }
0x17: {  	v8 =	vsub.s32 $0x221C, v8  }
0x18: {  	vm0 =	vlt.s32 v9, v8  }
0x19: {  	v8 =	vsel vm0, v9, v8  }
0x1a: {  	vm0 =	vlt.s32 v8, $0x221B  }
0x1b: {  	v11 =	vimm.s32 $0x7F800000;
	s13 =	simm.s32 $0x0;
	v9 =	vimm.s32 $0x0;
	v10 =	vnsel vm0, $0x221B, v8  }
.LBB2_2:
0x1c: {  	s15 =	simm.s32 $0x0  }
0x1d: {  	v13 =	vld [tilespmem:s15+$0x0]  }
0x1e: {  	v14 =	vld [tilespmem:s15+$0x10]  }
0x1f: {  	v12 =	vsub.s32 v11, v9;
	v15 =	vld [tilespmem:s15+$0x20]  }
0x20: {  	v12 =	vshra.s32 v12, $0x1;
	v16 =	vld [tilespmem:s15+$0x30]  }
0x21: {  	v17 =	vimm.s32 $0x0;
	s14 =	simm.s32 $0x100;
	v12 =	vadd.s32 v9, v12  }
.LBB2_3:
0x22: {  	s15 =	sshra.s32 s14, $0x2;
	p0 =	sne.s32 s14, $0x8B00;
	s14 =	sadd.s32 $0x100, s14;
	vm0 =	vge.f32 v13, v12  }
.Ltmp0:
0x23: {  	v13 =	vld [tilespmem:s15+$0x0];
	v18 =	vsel vm0, $0x1, v3;
	vm0 =	vge.f32 v14, v12;
	(pc) =	sbr.rel @p0 .LBB2_3-.Ltmp0, $4  }
0x24: {  	v14 =	vld [tilespmem:s15+$0x10];
	v19 =	vsel vm0, $0x1, v3;
	vm0 =	vge.f32 v15, v12;
	v17 =	vadd.s32 v18, v17  }
0x25: {  	v15 =	vld [tilespmem:s15+$0x20];
	v18 =	vsel vm0, $0x1, v3;
	vm0 =	vge.f32 v16, v12;
	v17 =	vadd.s32 v19, v17  }
0x26: {  	v16 =	vld [tilespmem:s15+$0x30];
	v19 =	vsel vm0, $0x1, v3;
	v17 =	vadd.s32 v18, v17  }
0x27: {  	v17 =	vadd.s32 v19, v17  }
0x28: {  	vm0 =	vge.f32 v13, v12  }
0x29: {  	v13 =	vsel vm0, $0x1, v3;
	vm12 =	vge.f32 v14, v12  }
0x2a: {  	v14 =	vsel vm12, $0x1, v3;
	vm13 =	vge.f32 v15, v12;
	v13 =	vadd.s32 v13, v17  }
0x2b: {  	v15 =	vsel vm13, $0x1, v3;
	vm14 =	vge.f32 v16, v12;
	v13 =	vadd.s32 v14, v13  }
0x2c: {  	v63 =	vsel vm14, $0x1, v3;
	v13 =	vadd.s32 v15, v13  }
0x2d: {  	v13 =	vadd.s32 v63, v13  }
0x2e: {  	v14 =	vperm.xlane v13, v0;
	_ =	sdelay $0x1  }
0x2f: {  	v13 =	vadd.s32 v13, v14  }
0x30: {  	v14 =	vperm.xlane v13, v1;
	_ =	sdelay $0x1  }
0x31: {  	v13 =	vadd.s32 v14, v13  }
0x32: {  	v14 =	vperm.xlane v13, v2  }
0x33: {  	s13 =	sadd.s32 $0x1, s13  }
0x34: {  	p0 =	sne.s32 s13, $0x1F;
	v13 =	vadd.s32 v14, v13  }
.Ltmp1:
0x35: {  	v14 =	vperm.xlane v13, v4;
	(pc) =	sbr.rel @p0 .LBB2_2-.Ltmp1, $4  }
0x36: {  	_ = 	snop  }
0x37: {  	v13 =	vadd.s32 v14, v13  }
0x38: {  	vm15 =	vlt.s32 v13, v10  }
0x39: {  	v9 =	vsel vm15, v9, v12;
	v11 =	vsel vm15, v12, v11  }
0x3a: {  	s13 =	simm.s32 $0x0  }
0x3b: {  	v12 =	vld [tilespmem:s13+$0x0];
	_ =	sdelay $0x3  }
0x3c: {  	v13 =	vld [tilespmem:s13+$0x10]  }
0x3d: {  	v11 =	vld [tilespmem:s13+$0x30];
	vm0 =	vgt.f32 v12, v9  }
0x3e: {  	v16 =	vnsel vm0, $0x0, v12;
	v12 =	vld [tilespmem:s13+$0x20];
	_ =	sdelay $0x1  }
0x3f: {  	v15 =	vimm.f32 $0.0e+00  }
0x40: {  	v14 =	vimm.s32 $0x0;
	s14 =	simm.s32 $0x200;
	vm1 =	vgt.f32 v13, v9;
	s13 =	simm.s32 $0x40;
	v15 =	vadd.f32 v16, v15  }
.LBB2_6:
0x41: {  	p0 =	sne.s32 s14, $0x8B00;
	v16 =	vld [tilespmem:s13+$0x0];
	v13 =	vnsel vm1, $0x0, v13;
	vm2 =	vgt.f32 v11, v9;
	v17 =	vmov v11  }
0x42: {  	v11 =	vsel vm0, $0x1, v3;
	v15 =	vadd.f32 v13, v15;
	vm0 =	vgt.f32 v12, v9  }
0x43: {  	v18 =	vsel vm1, $0x1, v3;
	v14 =	vadd.s32 v11, v14;
	v13 =	vld [tilespmem:s13+$0x10];
	v12 =	vnsel vm0, $0x0, v12  }
.Ltmp2:
0x44: {  	v14 =	vadd.s32 v18, v14;
	v18 =	vsel vm0, $0x1, v3;
	v11 =	vld [tilespmem:s13+$0x30];
	v15 =	vadd.f32 v12, v15;
	(pc) =	sbr.rel @p0 .LBB2_6-.Ltmp2, $4  }
0x45: {  	v17 =	vnsel vm2, $0x0, v17;
	v14 =	vadd.s32 v18, v14;
	v18 =	vsel vm2, $0x1, v3;
	v12 =	vld [tilespmem:s13+$0x20]  }
0x46: {  	v14 =	vadd.s32 v18, v14;
	vm0 =	vgt.f32 v16, v9;
	v15 =	vadd.f32 v17, v15  }
0x47: {  	v16 =	vnsel vm0, $0x0, v16  }
0x48: {  	s13 =	sshra.s32 s14, $0x2;
	s14 =	sadd.s32 $0x100, s14;
	v15 =	vadd.f32 v16, v15;
	vm1 =	vgt.f32 v13, v9  }
0x49: {  	v16 =	vld [tilespmem:s13+$0x0];
	v13 =	vnsel vm1, $0x0, v13  }
0x4a: {  	v13 =	vadd.f32 v13, v15;
	vm2 =	vgt.f32 v12, v9  }
0x4b: {  	v17 =	vld [tilespmem:s13+$0x10];
	v12 =	vnsel vm2, $0x0, v12  }
0x4c: {  	v42 =	vsel vm0, $0x1, v3;
	vm10 =	vgt.f32 v11, v9;
	v18 =	vld [tilespmem:s13+$0x30];
	v12 =	vadd.f32 v12, v13  }
0x4d: {  	v43 =	vsel vm1, $0x1, v3;
	v45 =	vld [tilespmem:s13+$0x20];
	v14 =	vadd.s32 v42, v14;
	v11 =	vnsel vm10, $0x0, v11  }
0x4e: {  	v49 =	vsel vm10, $0x1, v3;
	vm11 =	vgt.f32 v16, v9;
	v11 =	vadd.f32 v11, v12  }
0x4f: {  	v44 =	vadd.s32 v43, v14;
	v46 =	vsel vm2, $0x1, v3;
	v48 =	vnsel vm11, $0x0, v16  }
0x50: {  	v47 =	vadd.s32 v46, v44;
	vm12 =	vgt.f32 v17, v9;
	v11 =	vadd.f32 v48, v11  }
0x51: {  	v12 =	vadd.s32 v49, v47;
	vm13 =	vgt.f32 v18, v9;
	v50 =	vnsel vm12, $0x0, v17  }
0x52: {  	vm14 =	vgt.f32 v45, v9;
	v51 =	vsel vm11, $0x1, v3;
	v11 =	vadd.f32 v50, v11  }
0x53: {  	v52 =	vsel vm12, $0x1, v3;
	v14 =	vnsel vm14, $0x0, v45;
	v12 =	vadd.s32 v51, v12  }
0x54: {  	v53 =	vsel vm14, $0x1, v3;
	v12 =	vadd.s32 v52, v12;
	v11 =	vadd.f32 v14, v11  }
0x55: {  	v54 =	vnsel vm13, $0x0, v18;
	v55 =	vsel vm13, $0x1, v3;
	v12 =	vadd.s32 v53, v12  }
0x56: {  	v12 =	vadd.s32 v55, v12;
	v11 =	vadd.f32 v54, v11  }
0x57: {  	v56 =	vperm.xlane v12, v5  }
0x58: {  	v57 =	vperm.xlane v11, v5  }
0x59: {  	v12 =	vadd.s32 v12, v56  }
0x5a: {  	v13 =	vperm.xlane v12, v6;
	v11 =	vadd.f32 v57, v11;
	_ =	sdelay $0x1  }
0x5b: {  	v12 =	vadd.s32 v13, v12;
	v58 =	vperm.xlane v11, v6  }
0x5c: {  	v59 =	vperm.xlane v12, v7  }
0x5d: {  	v11 =	vadd.f32 v58, v11  }
0x5e: {  	v12 =	vadd.s32 v59, v12  }
0x5f: {  	v60 =	vperm.xlane v12, v4;
	v61 =	vperm.xlane v11, v7;
	_ =	sdelay $0x1  }
0x60: {  	v12 =	vadd.s32 v12, v60;
	v11 =	vadd.f32 v61, v11  }
0x61: {  	v10 =	vsub.s32 v10, v12  }
0x62: {  	v10 =	vcvt.s32.f32 v10;
	v62 =	vperm.xlane v11, v4;
	_ =	sdelay $0x1  }
0x63: {  	v63 =	vmul.f32 v10, v9;
	v11 =	vadd.f32 v62, v11;
	_ =	sdelay $0x1  }
0x64: {  	v9 =	vadd.f32 v11, v63  }
0x65: {  	vm15 =	vgt.s32 v8, $0x0;
	s12 =	sadd.s32 $0x1, s12  }
0x66: {  	p0 =	sne.s32 s12, s6;
	v8 =	vnsel vm15, $0x0, v9  }
.Ltmp3:
0x67: {  	[tilespmem:$0x2380] =	vst v8;
	(pc) =	sbr.rel @p0 .LBB2_1-.Ltmp3, $4  }
0x68: {  	[hbm4b:s5+s2] =	stream.linear.scatter [tilespmem:s11], [sflag:$0x1], $0x80, $0x38;
	[tilespmem:$0x2400] =	vst v63  }
0x69: {  	_ =	swait.ge [sflag:s9], $0x80  }
0x6a: {  	[sflag:s9] =	ssyncset.done $0x0  }
0x6b: {  	[sflag:s9] =	ssyncadd.s32 $0xFFFFFF80  }
0x6c: {  	_ =	sfence.sel $0x180000  }
0x6d: {  	[bflag:$0x0] =	sbarrier.arrive $0xFFFF  }
0x6e: {  	p0 =	sne.s32 s1, $0x0;
	_ =	strace $0x90000047  }
0x6f: {  	s0 =	sadd.s32 @!p0 $0x100000, s0;
	[bflag:$0x2] =	sbarrier.arrive $0xFFFF  }
0x70: {  	[sflag:s0] =	ssyncadd.tile.s32 @!p0 $0x1;
	_ =	shalt  }
.Lfunc_end2:
_tile_overlayer_lowered:
.L_overlay_start_2:
0x71: {  	(tag) =	ssettag $0x2  }
0x72: {  	s0 =	rddreg [dreg:$0x0];
	s2 =	stileid.u32  }
0x73: {  	s1 =	rddreg [dreg:$0x1];
	p0 =	sne.s32 s2, $0x0  }
0x74: {  	s3 =	rddreg [dreg:$0x2];
	[bflag:$0x3] =	sbarrier.arrive $0xFFFF;
	s2 =	simm.s32 @!p0 $0x1C01  }
0x75: {  	[timem:s3], [sflag:s2] =	dma.local @!p0 [hbm:s0], s1  }
0x76: {  	s0 =	simm.s32 @!p0 $0x1  }
0x77: {  	_ =	swait.ge @!p0 [sflag:s0], s1  }
0x78: {  	s1 =	ssub.s32 @!p0 $0x0, s1;
	[sflag:s0] =	ssyncset.done @!p0 $0x0  }
0x79: {  	[sflag:s0] =	ssyncadd.s32 @!p0 s1  }
0x7a: {  	[bflag:$0x3] =	sbarrier.arrive $0xFFFF  }
0x7b: {  	_ =	shalt  }

</sc_bundles>
